<compile_context>
chip_gen: v7x
topology: tpu7x:2x2x1
jax: 0.10.2.dev20260603
libtpu: 0.0.44.dev20260713+nightly
codegen_flags: <defaults>
</compile_context>

<pallas_src>
import functools

import jax
import jax.numpy as jnp
from jax import lax
from jax.experimental import pallas as pl
from jax.experimental.pallas import tpu as pltpu
from jax.experimental.pallas import tpu_sc as plsc

N_HID = 32
B = 8
L = 50
LP = 56
N = B * L
NP = B * LP
E_CHUNK = 16



def _sc_mesh():
    return plsc.VectorSubcoreMesh(core_axis_name="c", subcore_axis_name="s")


NW = 32


def _sc_stage(x2d, src, dst, ew, zeros, embed_w, n_edges):
    n_gather = x2d.shape[0]
    n_chunks = n_edges // E_CHUNK
    per_w = (n_chunks + NW - 1) // NW

    @functools.partial(
        pl.kernel,
        mesh=_sc_mesh(),
        out_type=[
            jax.ShapeDtypeStruct((N, N_HID), jnp.float32),
            jax.ShapeDtypeStruct((NW, N, N_HID), jnp.float32),
        ],
        scratch_types=[
            pltpu.VMEM((n_gather, L), jnp.int32),
            pltpu.VMEM((N, N_HID), jnp.float32),
            pltpu.VMEM((n_edges,), jnp.int32),
            pltpu.VMEM((n_edges,), jnp.int32),
            pltpu.VMEM((n_edges,), jnp.float32),
            pltpu.VMEM((N, N_HID), jnp.float32),
            pltpu.SemaphoreType.DMA,
        ],
        compiler_params=pltpu.CompilerParams(
            use_tc_tiling_on_sc=False, needs_layout_passes=False),
    )
    def k(x_hbm, src_hbm, dst_hbm, ew_hbm, zero_hbm, table_hbm,
          h_out, a_out, x_v, h_v, src_v, dst_v, ew_v, agg_v, sem):
        wid = lax.axis_index("c") * 16 + lax.axis_index("s")

        pltpu.sync_copy(x_hbm, x_v)
        pltpu.sync_copy(src_hbm, src_v)
        pltpu.sync_copy(dst_hbm, dst_v)
        pltpu.sync_copy(ew_hbm, ew_v)
        pltpu.sync_copy(zero_hbm, agg_v)

        copies = []
        for g in range(n_gather):
            copies.append(
                pltpu.async_copy(
                    table_hbm.at[x_v.at[g]],
                    h_v.at[pl.ds(g * L, L)],
                    sem,
                )
            )
        for c in copies:
            c.wait()

        for t in range(per_w):
            kk = wid + NW * t

            @pl.when(kk < n_chunks)
            def _():
                s_idx = src_v[pl.ds(kk * E_CHUNK, E_CHUNK)]
                d_idx = dst_v[pl.ds(kk * E_CHUNK, E_CHUNK)]
                w = ew_v[pl.ds(kk * E_CHUNK, E_CHUNK)]
                for j in range(N_HID):
                    colj = jnp.full((E_CHUNK,), j, jnp.int32)
                    vals = plsc.load_gather(h_v, [s_idx, colj])
                    plsc.addupdate_scatter(agg_v, [d_idx, colj], w * vals)

        pltpu.sync_copy(agg_v, a_out.at[wid])

        @pl.when(wid == 0)
        def _():
            pltpu.sync_copy(h_v, h_out)

    return k(x2d, src, dst, ew, zeros, embed_w)



def _pre_body(h_ref, a0s_ref, ggc_ref, wiT_ref, whT_ref, bi_ref,
              bh_ref, W1t_ref, b1_ref, W2t_ref, b2_ref, Wtt_ref, bt_ref,
              qt_ref, qb_ref, W3t_ref, b3_ref, wall_ref):
    f32 = jnp.float32

    def mm(a, b):
        return jnp.dot(a, b, preferred_element_type=f32)

    h = h_ref[...]
    a0 = a0s_ref[0]
    for wix in range(1, NW):
        a0 = a0 + a0s_ref[wix]
    agg = mm(a0, ggc_ref[...])

    gi = mm(agg, wiT_ref[...]) + bi_ref[...]
    gh = mm(h, whT_ref[...]) + bh_ref[...]
    r = jax.nn.sigmoid(gi[:, 0:N_HID] + gh[:, 0:N_HID])
    zg = jax.nn.sigmoid(gi[:, N_HID:2 * N_HID] + gh[:, N_HID:2 * N_HID])
    ng = jnp.tanh(gi[:, 2 * N_HID:] + r * gh[:, 2 * N_HID:])
    v = (1.0 - zg) * ng + zg * h

    bb = lax.broadcasted_iota(jnp.int32, (B, N), 0)
    nn = lax.broadcasted_iota(jnp.int32, (B, N), 1)
    sel_lastT = (nn == bb * L + (L - 1)).astype(f32)
    segT = (nn // L == bb).astype(f32)
    nn2 = lax.broadcasted_iota(jnp.int32, (N, B), 0)
    bb2 = lax.broadcasted_iota(jnp.int32, (N, B), 1)
    seg = (nn2 // L == bb2).astype(f32)

    s_l = mm(sel_lastT, v)
    v_n = mm(seg, s_l)
    pre = jax.nn.sigmoid(mm(v_n, W1t_ref[...]) + b1_ref[...]
                         + mm(v, W2t_ref[...]) + b2_ref[...])
    alpha = mm(pre, qt_ref[...]) + qb_ref[...]
    s_g = mm(segT, alpha * v)
    base = mm(jnp.concatenate([s_l, s_g], axis=1), W3t_ref[...]) + b3_ref[...]

    rr = lax.broadcasted_iota(jnp.int32, (NP, N), 0)
    cc = lax.broadcasted_iota(jnp.int32, (NP, N), 1)
    tgt = (rr // LP) * L + rr % LP
    epad = ((rr % LP < L) & (cc == tgt)).astype(f32)
    vpad = mm(epad, v)
    tpad = mm(vpad, Wtt_ref[...]) + bt_ref[...]

    wall_ref[0:NP, :] = tpad
    wall_ref[NP:2 * NP, :] = vpad
    wall_ref[2 * NP:2 * NP + B, :] = base



def _big_body(w_ref, e_ref, o_ref):
    f32 = jnp.float32
    MT = lax.dot_general(w_ref[...].astype(jnp.bfloat16),
                         e_ref[...].astype(jnp.bfloat16),
                         (((1,), (1,)), ((), ())),
                         preferred_element_type=f32)
    rowmask = (lax.broadcasted_iota(jnp.int32, (LP, 1), 0) < L).astype(f32)
    rows = []
    for b in range(B):
        Ab = MT[b * LP:(b + 1) * LP, :]
        Pb = MT[NP + b * LP:NP + (b + 1) * LP, :]
        ex = jnp.exp(Ab) * rowmask
        num = jnp.sum(ex * Pb, axis=0, keepdims=True)
        den = jnp.sum(ex, axis=0, keepdims=True)
        rows.append(num / den)
    o_ref[...] = jnp.concatenate(rows, axis=0) + MT[2 * NP:2 * NP + B, :]


def _big(embed_w, wall, tile):
    vocab = embed_w.shape[0]
    grid = pl.cdiv(vocab, tile)
    return pl.pallas_call(
        _big_body,
        grid=(grid,),
        in_specs=[
            pl.BlockSpec((2 * NP + B, N_HID), lambda i: (0, 0)),
            pl.BlockSpec((tile, N_HID), lambda i: (i, 0)),
        ],
        out_specs=pl.BlockSpec((B, tile), lambda i: (0, i)),
        out_shape=jax.ShapeDtypeStruct((B, vocab), jnp.float32),
    )(wall, embed_w)



def kernel(x, edge_index, edge_weight, batch, embed_w, ggc_w, gru_wi, gru_wh,
           gru_bi, gru_bh, W1_w, W1_b, W2_w, W2_b, Wt_w, Wt_b, q_w, q_b,
           W3_w, W3_b):
    n_edges = edge_index.shape[1]
    x2d = x.reshape(B, L)
    src = edge_index[0]
    dst = edge_index[1]
    zeros = jnp.zeros((N, N_HID), jnp.float32)

    h, a0s = _sc_stage(x2d, src, dst, edge_weight, zeros, embed_w, n_edges)

    wall = pl.pallas_call(
        _pre_body,
        out_shape=jax.ShapeDtypeStruct((2 * NP + B, N_HID), jnp.float32),
    )(
        h, a0s, ggc_w[0], gru_wi.T, gru_wh.T,
        gru_bi.reshape(1, 3 * N_HID), gru_bh.reshape(1, 3 * N_HID),
        W1_w.T, W1_b.reshape(1, N_HID), W2_w.T, W2_b.reshape(1, N_HID),
        Wt_w.T, Wt_b.reshape(1, N_HID), q_w.T, q_b.reshape(1, 1),
        W3_w.T, W3_b.reshape(1, N_HID),
    )

    return _big(embed_w, wall, tile=4096)

# --- scband reference (transcript-rebuilt; emitter-appended) ---
"""Pipeline reference for scband-ta-gnn-60052232732767 (READ-ONLY COPY).

The authoritative reference and input builder live on the scoring server;
editing this copy changes nothing except your own understanding.
"""

import jax, jax.numpy as jnp
import numpy as np

N_NODE = 100000
N_HID = 32
B = 8
L = 50
N = B * L
E = 2 * N
N_LAYERS = 1


def setup_inputs(seed: int = 0) -> dict:
    key = jax.random.key(seed)
    ks = jax.random.split(key, 20)
    stdv = 1.0 / np.sqrt(N_HID)

    def u(k, shape):
        return jax.random.uniform(k, shape, jnp.float32, -stdv, stdv)

    inp = {}
    inp["x"] = jax.random.randint(ks[0], (N,), 0, N_NODE, dtype=jnp.int32)
    inp["edge_index"] = jax.random.randint(ks[1], (2, E), 0, N, dtype=jnp.int32)
    inp["edge_weight"] = jax.random.uniform(ks[2], (E,), jnp.float32)
    inp["batch"] = jnp.repeat(jnp.arange(B, dtype=jnp.int32), L)
    inp["embed_w"] = u(ks[3], (N_NODE, N_HID))
    inp["ggc_w"] = u(ks[4], (N_LAYERS, N_HID, N_HID))
    inp["gru_wi"] = u(ks[5], (3 * N_HID, N_HID))
    inp["gru_wh"] = u(ks[6], (3 * N_HID, N_HID))
    inp["gru_bi"] = u(ks[7], (3 * N_HID,))
    inp["gru_bh"] = u(ks[8], (3 * N_HID,))
    inp["W1_w"] = u(ks[9], (N_HID, N_HID))
    inp["W1_b"] = u(ks[10], (N_HID,))
    inp["W2_w"] = u(ks[11], (N_HID, N_HID))
    inp["W2_b"] = u(ks[12], (N_HID,))
    inp["Wt_w"] = u(ks[13], (N_HID, N_HID))
    inp["Wt_b"] = u(ks[14], (N_HID,))
    inp["q_w"] = u(ks[15], (1, N_HID))
    inp["q_b"] = u(ks[16], (1,))
    inp["W3_w"] = u(ks[17], (N_HID, 2 * N_HID))
    inp["W3_b"] = u(ks[18], (N_HID,))
    return inp


def reference(x, edge_index, edge_weight, batch, embed_w, ggc_w, gru_wi, gru_wh, gru_bi, gru_bh, W1_w, W1_b, W2_w, W2_b, Wt_w, Wt_b, q_w, q_b, W3_w, W3_b):
    src = edge_index[0]
    dst = edge_index[1]
    nb = batch.shape[0] // L
    # embedding lookup (gather over 100k-row table)
    h = embed_w[x]
    # GatedGraphConv: linear -> weighted scatter-add message passing -> GRU cell
    for i in range(ggc_w.shape[0]):
        m = h @ ggc_w[i]
        msg = edge_weight[:, None] * m[src]
        agg = jnp.zeros_like(h).at[dst].add(msg)
        gi = agg @ gru_wi.T + gru_bi
        gh = h @ gru_wh.T + gru_bh
        i_r, i_z, i_n = jnp.split(gi, 3, axis=-1)
        h_r, h_z, h_n = jnp.split(gh, 3, axis=-1)
        r = jax.nn.sigmoid(i_r + h_r)
        zg = jax.nn.sigmoid(i_z + h_z)
        ng = jnp.tanh(i_n + r * h_n)
        h = (1.0 - zg) * ng + zg * h
    v = h
    s_l_list = []
    v_n_list = []
    s_t_list = []
    for b in range(nb):
        s = v[b * L:(b + 1) * L]
        last = s[-1]
        s_l_list.append(last)
        v_n_list.append(jnp.tile(last[None, :], (s.shape[0], 1)))
        logits = embed_w @ (s @ Wt_w.T + Wt_b).T
        attn = jax.nn.softmax(logits, axis=-1)
        s_t_list.append(attn @ s)
    s_l = jnp.stack(s_l_list, axis=0)
    v_n = jnp.concatenate(v_n_list, axis=0)
    s_t = jnp.stack(s_t_list, axis=0)
    alpha = jax.nn.sigmoid(v_n @ W1_w.T + W1_b + v @ W2_w.T + W2_b) @ q_w.T + q_b
    s_g = jax.ops.segment_sum(alpha * v, batch, num_segments=nb)
    s_h = jnp.concatenate([s_l, s_g], axis=-1) @ W3_w.T + W3_b
    s_h = s_h[:, None, :] + s_t
    z = jnp.sum(s_h * embed_w[None, :, :], axis=-1)
    return z

if __name__ == "__main__":
    import jax
    _d = setup_inputs()
    print(jax.jit(kernel)(*tuple(_d.values())))

</pallas_src>

<mosaic_0001>
#map = affine_map<(d0, d1) -> (0, 0)>
#map1 = affine_map<(d0, d1) -> (0)>
#map2 = affine_map<(d0, d1) -> (0, 0, 0)>
module attributes {stable_mosaic.version = 14 : i64} {
  func.func @k(%arg0: i32, %arg1: i32, %arg2: memref<8x50xi32, #tpu.memory_space<hbm>>, %arg3: memref<800xi32, #tpu.memory_space<hbm>>, %arg4: memref<800xi32, #tpu.memory_space<hbm>>, %arg5: memref<800xf32, #tpu.memory_space<hbm>>, %arg6: memref<400x32xf32, #tpu.memory_space<hbm>>, %arg7: memref<100000x32xf32, #tpu.memory_space<hbm>>, %arg8: memref<400x32xf32, #tpu.memory_space<hbm>>, %arg9: memref<32x400x32xf32, #tpu.memory_space<hbm>>, %arg10: memref<8x50xi32, #tpu.memory_space<vmem>>, %arg11: memref<400x32xf32, #tpu.memory_space<vmem>>, %arg12: memref<800xi32, #tpu.memory_space<vmem>>, %arg13: memref<800xi32, #tpu.memory_space<vmem>>, %arg14: memref<800xf32, #tpu.memory_space<vmem>>, %arg15: memref<400x32xf32, #tpu.memory_space<vmem>>, %arg16: memref<!tpu.dma_semaphore, #tpu.memory_space<semaphore_mem>>) attributes {dimension_semantics = [#tpu.dimension_semantics<core_parallel>, #tpu.dimension_semantics<subcore_parallel>], iteration_bounds = array<i64: 2, 16>, scalar_prefetch = 0 : i64, scratch_operands = 7 : i64, tpu.core_type = #tpu.core_type<sc_vector_subcore>, window_params = [{transform_indices = #map}, {transform_indices = #map1}, {transform_indices = #map1}, {transform_indices = #map1}, {transform_indices = #map}, {transform_indices = #map}, {transform_indices = #map}, {transform_indices = #map2}]} {
    %mul3A = arith.constant 16 : i32
    %mul3A_0 = arith.muli %arg0, %mul3A : i32
    %add3A = arith.addi %mul3A_0, %arg1 : i32
    "tpu.region"() ({
      %run_scoped3A = tpu.sem_alloc : memref<!tpu.dma_semaphore, #tpu.memory_space<semaphore_mem>>
      tpu.enqueue_dma source(%arg2 : memref<8x50xi32, #tpu.memory_space<hbm>>) target(%arg10 : memref<8x50xi32, #tpu.memory_space<vmem>>) target_semaphore(%run_scoped3A : memref<!tpu.dma_semaphore, #tpu.memory_space<semaphore_mem>>)
      tpu.wait_dma2 semaphore(%run_scoped3A : memref<!tpu.dma_semaphore, #tpu.memory_space<semaphore_mem>>) src(%arg2 : memref<8x50xi32, #tpu.memory_space<hbm>>) dst(%arg10 : memref<8x50xi32, #tpu.memory_space<vmem>>)
      tpu.yield
    }) : () -> ()
    "tpu.region"() ({
      %run_scoped3A = tpu.sem_alloc : memref<!tpu.dma_semaphore, #tpu.memory_space<semaphore_mem>>
      tpu.enqueue_dma source(%arg3 : memref<800xi32, #tpu.memory_space<hbm>>) target(%arg12 : memref<800xi32, #tpu.memory_space<vmem>>) target_semaphore(%run_scoped3A : memref<!tpu.dma_semaphore, #tpu.memory_space<semaphore_mem>>)
      tpu.wait_dma2 semaphore(%run_scoped3A : memref<!tpu.dma_semaphore, #tpu.memory_space<semaphore_mem>>) src(%arg3 : memref<800xi32, #tpu.memory_space<hbm>>) dst(%arg12 : memref<800xi32, #tpu.memory_space<vmem>>)
      tpu.yield
    }) : () -> ()
    "tpu.region"() ({
      %run_scoped3A = tpu.sem_alloc : memref<!tpu.dma_semaphore, #tpu.memory_space<semaphore_mem>>
      tpu.enqueue_dma source(%arg4 : memref<800xi32, #tpu.memory_space<hbm>>) target(%arg13 : memref<800xi32, #tpu.memory_space<vmem>>) target_semaphore(%run_scoped3A : memref<!tpu.dma_semaphore, #tpu.memory_space<semaphore_mem>>)
      tpu.wait_dma2 semaphore(%run_scoped3A : memref<!tpu.dma_semaphore, #tpu.memory_space<semaphore_mem>>) src(%arg4 : memref<800xi32, #tpu.memory_space<hbm>>) dst(%arg13 : memref<800xi32, #tpu.memory_space<vmem>>)
      tpu.yield
    }) : () -> ()
    "tpu.region"() ({
      %run_scoped3A = tpu.sem_alloc : memref<!tpu.dma_semaphore, #tpu.memory_space<semaphore_mem>>
      tpu.enqueue_dma source(%arg5 : memref<800xf32, #tpu.memory_space<hbm>>) target(%arg14 : memref<800xf32, #tpu.memory_space<vmem>>) target_semaphore(%run_scoped3A : memref<!tpu.dma_semaphore, #tpu.memory_space<semaphore_mem>>)
      tpu.wait_dma2 semaphore(%run_scoped3A : memref<!tpu.dma_semaphore, #tpu.memory_space<semaphore_mem>>) src(%arg5 : memref<800xf32, #tpu.memory_space<hbm>>) dst(%arg14 : memref<800xf32, #tpu.memory_space<vmem>>)
      tpu.yield
    }) : () -> ()
    "tpu.region"() ({
      %run_scoped3A = tpu.sem_alloc : memref<!tpu.dma_semaphore, #tpu.memory_space<semaphore_mem>>
      tpu.enqueue_dma source(%arg6 : memref<400x32xf32, #tpu.memory_space<hbm>>) target(%arg15 : memref<400x32xf32, #tpu.memory_space<vmem>>) target_semaphore(%run_scoped3A : memref<!tpu.dma_semaphore, #tpu.memory_space<semaphore_mem>>)
      tpu.wait_dma2 semaphore(%run_scoped3A : memref<!tpu.dma_semaphore, #tpu.memory_space<semaphore_mem>>) src(%arg6 : memref<400x32xf32, #tpu.memory_space<hbm>>) dst(%arg15 : memref<400x32xf32, #tpu.memory_space<vmem>>)
      tpu.yield
    }) : () -> ()
    %dma_start3A = arith.constant 0 : i32
    %dma_start3A_1 = arith.constant 0 : i32
    %dma_start3A_2 = arith.constant 0 : i32
    %dma_start3A_3 = tpu.memref_slice %arg11[%dma_start3A_1, %dma_start3A_2] : memref<400x32xf32, #tpu.memory_space<vmem>> -> memref<50x32xf32, #tpu.memory_space<vmem>>
    %dma_start3A_4 = arith.constant 0 : i32
    %dma_start3A_5 = tpu.memref_slice %arg10[%dma_start3A, %dma_start3A_4] : memref<8x50xi32, #tpu.memory_space<vmem>> -> memref<1x50xi32, #tpu.memory_space<vmem>>
    %dma_start3A_6 = tpu.memref_squeeze %dma_start3A_5 : memref<1x50xi32, #tpu.memory_space<vmem>> -> memref<50xi32, #tpu.memory_space<vmem>>
    %dma_start3A_7 = arith.constant 0 : i32
    %dma_start3A_8 = arith.constant 0 : i32
    %dma_start3A_9 = tpu.memref_slice %arg7[%dma_start3A_7, %dma_start3A_8] : memref<100000x32xf32, #tpu.memory_space<hbm>> -> memref<100000x32xf32, #tpu.memory_space<hbm>>
    tpu.enqueue_indirect_dma source(%dma_start3A_9 : memref<100000x32xf32, #tpu.memory_space<hbm>>) target(%dma_start3A_3 : memref<50x32xf32, #tpu.memory_space<vmem>>) offsets(%dma_start3A_6 : memref<50xi32, #tpu.memory_space<vmem>>) semaphore(%arg16 : memref<!tpu.dma_semaphore, #tpu.memory_space<semaphore_mem>>)
    %dma_start3A_10 = arith.constant 1 : i32
    %dma_start3A_11 = arith.constant 50 : i32
    %dma_start3A_12 = arith.constant 0 : i32
    %dma_start3A_13 = tpu.memref_slice %arg11[%dma_start3A_11, %dma_start3A_12] : memref<400x32xf32, #tpu.memory_space<vmem>> -> memref<50x32xf32, #tpu.memory_space<vmem>>
    %dma_start3A_14 = arith.constant 0 : i32
    %dma_start3A_15 = tpu.memref_slice %arg10[%dma_start3A_10, %dma_start3A_14] : memref<8x50xi32, #tpu.memory_space<vmem>> -> memref<1x50xi32, #tpu.memory_space<vmem>>
    %dma_start3A_16 = tpu.memref_squeeze %dma_start3A_15 : memref<1x50xi32, #tpu.memory_space<vmem>> -> memref<50xi32, #tpu.memory_space<vmem>>
    %dma_start3A_17 = arith.constant 0 : i32
    %dma_start3A_18 = arith.constant 0 : i32
    %dma_start3A_19 = tpu.memref_slice %arg7[%dma_start3A_17, %dma_start3A_18] : memref<100000x32xf32, #tpu.memory_space<hbm>> -> memref<100000x32xf32, #tpu.memory_space<hbm>>
    tpu.enqueue_indirect_dma source(%dma_start3A_19 : memref<100000x32xf32, #tpu.memory_space<hbm>>) target(%dma_start3A_13 : memref<50x32xf32, #tpu.memory_space<vmem>>) offsets(%dma_start3A_16 : memref<50xi32, #tpu.memory_space<vmem>>) semaphore(%arg16 : memref<!tpu.dma_semaphore, #tpu.memory_space<semaphore_mem>>)
    %dma_start3A_20 = arith.constant 2 : i32
    %dma_start3A_21 = arith.constant 100 : i32
    %dma_start3A_22 = arith.constant 0 : i32
    %dma_start3A_23 = tpu.memref_slice %arg11[%dma_start3A_21, %dma_start3A_22] : memref<400x32xf32, #tpu.memory_space<vmem>> -> memref<50x32xf32, #tpu.memory_space<vmem>>
    %dma_start3A_24 = arith.constant 0 : i32
    %dma_start3A_25 = tpu.memref_slice %arg10[%dma_start3A_20, %dma_start3A_24] : memref<8x50xi32, #tpu.memory_space<vmem>> -> memref<1x50xi32, #tpu.memory_space<vmem>>
    %dma_start3A_26 = tpu.memref_squeeze %dma_start3A_25 : memref<1x50xi32, #tpu.memory_space<vmem>> -> memref<50xi32, #tpu.memory_space<vmem>>
    %dma_start3A_27 = arith.constant 0 : i32
    %dma_start3A_28 = arith.constant 0 : i32
    %dma_start3A_29 = tpu.memref_slice %arg7[%dma_start3A_27, %dma_start3A_28] : memref<100000x32xf32, #tpu.memory_space<hbm>> -> memref<100000x32xf32, #tpu.memory_space<hbm>>
    tpu.enqueue_indirect_dma source(%dma_start3A_29 : memref<100000x32xf32, #tpu.memory_space<hbm>>) target(%dma_start3A_23 : memref<50x32xf32, #tpu.memory_space<vmem>>) offsets(%dma_start3A_26 : memref<50xi32, #tpu.memory_space<vmem>>) semaphore(%arg16 : memref<!tpu.dma_semaphore, #tpu.memory_space<semaphore_mem>>)
    %dma_start3A_30 = arith.constant 3 : i32
    %dma_start3A_31 = arith.constant 150 : i32
    %dma_start3A_32 = arith.constant 0 : i32
    %dma_start3A_33 = tpu.memref_slice %arg11[%dma_start3A_31, %dma_start3A_32] : memref<400x32xf32, #tpu.memory_space<vmem>> -> memref<50x32xf32, #tpu.memory_space<vmem>>
    %dma_start3A_34 = arith.constant 0 : i32
    %dma_start3A_35 = tpu.memref_slice %arg10[%dma_start3A_30, %dma_start3A_34] : memref<8x50xi32, #tpu.memory_space<vmem>> -> memref<1x50xi32, #tpu.memory_space<vmem>>
    %dma_start3A_36 = tpu.memref_squeeze %dma_start3A_35 : memref<1x50xi32, #tpu.memory_space<vmem>> -> memref<50xi32, #tpu.memory_space<vmem>>
    %dma_start3A_37 = arith.constant 0 : i32
    %dma_start3A_38 = arith.constant 0 : i32
    %dma_start3A_39 = tpu.memref_slice %arg7[%dma_start3A_37, %dma_start3A_38] : memref<100000x32xf32, #tpu.memory_space<hbm>> -> memref<100000x32xf32, #tpu.memory_space<hbm>>
    tpu.enqueue_indirect_dma source(%dma_start3A_39 : memref<100000x32xf32, #tpu.memory_space<hbm>>) target(%dma_start3A_33 : memref<50x32xf32, #tpu.memory_space<vmem>>) offsets(%dma_start3A_36 : memref<50xi32, #tpu.memory_space<vmem>>) semaphore(%arg16 : memref<!tpu.dma_semaphore, #tpu.memory_space<semaphore_mem>>)
    %dma_start3A_40 = arith.constant 4 : i32
    %dma_start3A_41 = arith.constant 200 : i32
    %dma_start3A_42 = arith.constant 0 : i32
    %dma_start3A_43 = tpu.memref_slice %arg11[%dma_start3A_41, %dma_start3A_42] : memref<400x32xf32, #tpu.memory_space<vmem>> -> memref<50x32xf32, #tpu.memory_space<vmem>>
    %dma_start3A_44 = arith.constant 0 : i32
    %dma_start3A_45 = tpu.memref_slice %arg10[%dma_start3A_40, %dma_start3A_44] : memref<8x50xi32, #tpu.memory_space<vmem>> -> memref<1x50xi32, #tpu.memory_space<vmem>>
    %dma_start3A_46 = tpu.memref_squeeze %dma_start3A_45 : memref<1x50xi32, #tpu.memory_space<vmem>> -> memref<50xi32, #tpu.memory_space<vmem>>
    %dma_start3A_47 = arith.constant 0 : i32
    %dma_start3A_48 = arith.constant 0 : i32
    %dma_start3A_49 = tpu.memref_slice %arg7[%dma_start3A_47, %dma_start3A_48] : memref<100000x32xf32, #tpu.memory_space<hbm>> -> memref<100000x32xf32, #tpu.memory_space<hbm>>
    tpu.enqueue_indirect_dma source(%dma_start3A_49 : memref<100000x32xf32, #tpu.memory_space<hbm>>) target(%dma_start3A_43 : memref<50x32xf32, #tpu.memory_space<vmem>>) offsets(%dma_start3A_46 : memref<50xi32, #tpu.memory_space<vmem>>) semaphore(%arg16 : memref<!tpu.dma_semaphore, #tpu.memory_space<semaphore_mem>>)
    %dma_start3A_50 = arith.constant 5 : i32
    %dma_start3A_51 = arith.constant 250 : i32
    %dma_start3A_52 = arith.constant 0 : i32
    %dma_start3A_53 = tpu.memref_slice %arg11[%dma_start3A_51, %dma_start3A_52] : memref<400x32xf32, #tpu.memory_space<vmem>> -> memref<50x32xf32, #tpu.memory_space<vmem>>
    %dma_start3A_54 = arith.constant 0 : i32
    %dma_start3A_55 = tpu.memref_slice %arg10[%dma_start3A_50, %dma_start3A_54] : memref<8x50xi32, #tpu.memory_space<vmem>> -> memref<1x50xi32, #tpu.memory_space<vmem>>
    %dma_start3A_56 = tpu.memref_squeeze %dma_start3A_55 : memref<1x50xi32, #tpu.memory_space<vmem>> -> memref<50xi32, #tpu.memory_space<vmem>>
    %dma_start3A_57 = arith.constant 0 : i32
    %dma_start3A_58 = arith.constant 0 : i32
    %dma_start3A_59 = tpu.memref_slice %arg7[%dma_start3A_57, %dma_start3A_58] : memref<100000x32xf32, #tpu.memory_space<hbm>> -> memref<100000x32xf32, #tpu.memory_space<hbm>>
    tpu.enqueue_indirect_dma source(%dma_start3A_59 : memref<100000x32xf32, #tpu.memory_space<hbm>>) target(%dma_start3A_53 : memref<50x32xf32, #tpu.memory_space<vmem>>) offsets(%dma_start3A_56 : memref<50xi32, #tpu.memory_space<vmem>>) semaphore(%arg16 : memref<!tpu.dma_semaphore, #tpu.memory_space<semaphore_mem>>)
    %dma_start3A_60 = arith.constant 6 : i32
    %dma_start3A_61 = arith.constant 300 : i32
    %dma_start3A_62 = arith.constant 0 : i32
    %dma_start3A_63 = tpu.memref_slice %arg11[%dma_start3A_61, %dma_start3A_62] : memref<400x32xf32, #tpu.memory_space<vmem>> -> memref<50x32xf32, #tpu.memory_space<vmem>>
    %dma_start3A_64 = arith.constant 0 : i32
    %dma_start3A_65 = tpu.memref_slice %arg10[%dma_start3A_60, %dma_start3A_64] : memref<8x50xi32, #tpu.memory_space<vmem>> -> memref<1x50xi32, #tpu.memory_space<vmem>>
    %dma_start3A_66 = tpu.memref_squeeze %dma_start3A_65 : memref<1x50xi32, #tpu.memory_space<vmem>> -> memref<50xi32, #tpu.memory_space<vmem>>
    %dma_start3A_67 = arith.constant 0 : i32
    %dma_start3A_68 = arith.constant 0 : i32
    %dma_start3A_69 = tpu.memref_slice %arg7[%dma_start3A_67, %dma_start3A_68] : memref<100000x32xf32, #tpu.memory_space<hbm>> -> memref<100000x32xf32, #tpu.memory_space<hbm>>
    tpu.enqueue_indirect_dma source(%dma_start3A_69 : memref<100000x32xf32, #tpu.memory_space<hbm>>) target(%dma_start3A_63 : memref<50x32xf32, #tpu.memory_space<vmem>>) offsets(%dma_start3A_66 : memref<50xi32, #tpu.memory_space<vmem>>) semaphore(%arg16 : memref<!tpu.dma_semaphore, #tpu.memory_space<semaphore_mem>>)
    %dma_start3A_70 = arith.constant 7 : i32
    %dma_start3A_71 = arith.constant 350 : i32
    %dma_start3A_72 = arith.constant 0 : i32
    %dma_start3A_73 = tpu.memref_slice %arg11[%dma_start3A_71, %dma_start3A_72] : memref<400x32xf32, #tpu.memory_space<vmem>> -> memref<50x32xf32, #tpu.memory_space<vmem>>
    %dma_start3A_74 = arith.constant 0 : i32
    %dma_start3A_75 = tpu.memref_slice %arg10[%dma_start3A_70, %dma_start3A_74] : memref<8x50xi32, #tpu.memory_space<vmem>> -> memref<1x50xi32, #tpu.memory_space<vmem>>
    %dma_start3A_76 = tpu.memref_squeeze %dma_start3A_75 : memref<1x50xi32, #tpu.memory_space<vmem>> -> memref<50xi32, #tpu.memory_space<vmem>>
    %dma_start3A_77 = arith.constant 0 : i32
    %dma_start3A_78 = arith.constant 0 : i32
    %dma_start3A_79 = tpu.memref_slice %arg7[%dma_start3A_77, %dma_start3A_78] : memref<100000x32xf32, #tpu.memory_space<hbm>> -> memref<100000x32xf32, #tpu.memory_space<hbm>>
    tpu.enqueue_indirect_dma source(%dma_start3A_79 : memref<100000x32xf32, #tpu.memory_space<hbm>>) target(%dma_start3A_73 : memref<50x32xf32, #tpu.memory_space<vmem>>) offsets(%dma_start3A_76 : memref<50xi32, #tpu.memory_space<vmem>>) semaphore(%arg16 : memref<!tpu.dma_semaphore, #tpu.memory_space<semaphore_mem>>)
    %dma_wait3A = arith.constant 0 : i32
    %dma_wait3A_80 = arith.constant 0 : i32
    %dma_wait3A_81 = arith.constant 0 : i32
    %dma_wait3A_82 = tpu.memref_slice %arg11[%dma_wait3A_80, %dma_wait3A_81] : memref<400x32xf32, #tpu.memory_space<vmem>> -> memref<50x32xf32, #tpu.memory_space<vmem>>
    %dma_wait3A_83 = arith.constant 0 : i32
    %dma_wait3A_84 = tpu.memref_slice %arg10[%dma_wait3A, %dma_wait3A_83] : memref<8x50xi32, #tpu.memory_space<vmem>> -> memref<1x50xi32, #tpu.memory_space<vmem>>
    %dma_wait3A_85 = tpu.memref_squeeze %dma_wait3A_84 : memref<1x50xi32, #tpu.memory_space<vmem>> -> memref<50xi32, #tpu.memory_space<vmem>>
    %dma_wait3A_86 = arith.constant 0 : i32
    %dma_wait3A_87 = arith.constant 0 : i32
    %dma_wait3A_88 = tpu.memref_slice %arg7[%dma_wait3A_86, %dma_wait3A_87] : memref<100000x32xf32, #tpu.memory_space<hbm>> -> memref<100000x32xf32, #tpu.memory_space<hbm>>
    tpu.wait_indirect_dma semaphore(%arg16 : memref<!tpu.dma_semaphore, #tpu.memory_space<semaphore_mem>>) src(%dma_wait3A_88 : memref<100000x32xf32, #tpu.memory_space<hbm>>) dst(%dma_wait3A_82 : memref<50x32xf32, #tpu.memory_space<vmem>>)
    %dma_wait3A_89 = arith.constant 1 : i32
    %dma_wait3A_90 = arith.constant 50 : i32
    %dma_wait3A_91 = arith.constant 0 : i32
    %dma_wait3A_92 = tpu.memref_slice %arg11[%dma_wait3A_90, %dma_wait3A_91] : memref<400x32xf32, #tpu.memory_space<vmem>> -> memref<50x32xf32, #tpu.memory_space<vmem>>
    %dma_wait3A_93 = arith.constant 0 : i32
    %dma_wait3A_94 = tpu.memref_slice %arg10[%dma_wait3A_89, %dma_wait3A_93] : memref<8x50xi32, #tpu.memory_space<vmem>> -> memref<1x50xi32, #tpu.memory_space<vmem>>
    %dma_wait3A_95 = tpu.memref_squeeze %dma_wait3A_94 : memref<1x50xi32, #tpu.memory_space<vmem>> -> memref<50xi32, #tpu.memory_space<vmem>>
    %dma_wait3A_96 = arith.constant 0 : i32
    %dma_wait3A_97 = arith.constant 0 : i32
    %dma_wait3A_98 = tpu.memref_slice %arg7[%dma_wait3A_96, %dma_wait3A_97] : memref<100000x32xf32, #tpu.memory_space<hbm>> -> memref<100000x32xf32, #tpu.memory_space<hbm>>
    tpu.wait_indirect_dma semaphore(%arg16 : memref<!tpu.dma_semaphore, #tpu.memory_space<semaphore_mem>>) src(%dma_wait3A_98 : memref<100000x32xf32, #tpu.memory_space<hbm>>) dst(%dma_wait3A_92 : memref<50x32xf32, #tpu.memory_space<vmem>>)
    %dma_wait3A_99 = arith.constant 2 : i32
    %dma_wait3A_100 = arith.constant 100 : i32
    %dma_wait3A_101 = arith.constant 0 : i32
    %dma_wait3A_102 = tpu.memref_slice %arg11[%dma_wait3A_100, %dma_wait3A_101] : memref<400x32xf32, #tpu.memory_space<vmem>> -> memref<50x32xf32, #tpu.memory_space<vmem>>
    %dma_wait3A_103 = arith.constant 0 : i32
    %dma_wait3A_104 = tpu.memref_slice %arg10[%dma_wait3A_99, %dma_wait3A_103] : memref<8x50xi32, #tpu.memory_space<vmem>> -> memref<1x50xi32, #tpu.memory_space<vmem>>
    %dma_wait3A_105 = tpu.memref_squeeze %dma_wait3A_104 : memref<1x50xi32, #tpu.memory_space<vmem>> -> memref<50xi32, #tpu.memory_space<vmem>>
    %dma_wait3A_106 = arith.constant 0 : i32
    %dma_wait3A_107 = arith.constant 0 : i32
    %dma_wait3A_108 = tpu.memref_slice %arg7[%dma_wait3A_106, %dma_wait3A_107] : memref<100000x32xf32, #tpu.memory_space<hbm>> -> memref<100000x32xf32, #tpu.memory_space<hbm>>
    tpu.wait_indirect_dma semaphore(%arg16 : memref<!tpu.dma_semaphore, #tpu.memory_space<semaphore_mem>>) src(%dma_wait3A_108 : memref<100000x32xf32, #tpu.memory_space<hbm>>) dst(%dma_wait3A_102 : memref<50x32xf32, #tpu.memory_space<vmem>>)
    %dma_wait3A_109 = arith.constant 3 : i32
    %dma_wait3A_110 = arith.constant 150 : i32
    %dma_wait3A_111 = arith.constant 0 : i32
    %dma_wait3A_112 = tpu.memref_slice %arg11[%dma_wait3A_110, %dma_wait3A_111] : memref<400x32xf32, #tpu.memory_space<vmem>> -> memref<50x32xf32, #tpu.memory_space<vmem>>
    %dma_wait3A_113 = arith.constant 0 : i32
    %dma_wait3A_114 = tpu.memref_slice %arg10[%dma_wait3A_109, %dma_wait3A_113] : memref<8x50xi32, #tpu.memory_space<vmem>> -> memref<1x50xi32, #tpu.memory_space<vmem>>
    %dma_wait3A_115 = tpu.memref_squeeze %dma_wait3A_114 : memref<1x50xi32, #tpu.memory_space<vmem>> -> memref<50xi32, #tpu.memory_space<vmem>>
    %dma_wait3A_116 = arith.constant 0 : i32
    %dma_wait3A_117 = arith.constant 0 : i32
    %dma_wait3A_118 = tpu.memref_slice %arg7[%dma_wait3A_116, %dma_wait3A_117] : memref<100000x32xf32, #tpu.memory_space<hbm>> -> memref<100000x32xf32, #tpu.memory_space<hbm>>
    tpu.wait_indirect_dma semaphore(%arg16 : memref<!tpu.dma_semaphore, #tpu.memory_space<semaphore_mem>>) src(%dma_wait3A_118 : memref<100000x32xf32, #tpu.memory_space<hbm>>) dst(%dma_wait3A_112 : memref<50x32xf32, #tpu.memory_space<vmem>>)
    %dma_wait3A_119 = arith.constant 4 : i32
    %dma_wait3A_120 = arith.constant 200 : i32
    %dma_wait3A_121 = arith.constant 0 : i32
    %dma_wait3A_122 = tpu.memref_slice %arg11[%dma_wait3A_120, %dma_wait3A_121] : memref<400x32xf32, #tpu.memory_space<vmem>> -> memref<50x32xf32, #tpu.memory_space<vmem>>
    %dma_wait3A_123 = arith.constant 0 : i32
    %dma_wait3A_124 = tpu.memref_slice %arg10[%dma_wait3A_119, %dma_wait3A_123] : memref<8x50xi32, #tpu.memory_space<vmem>> -> memref<1x50xi32, #tpu.memory_space<vmem>>
    %dma_wait3A_125 = tpu.memref_squeeze %dma_wait3A_124 : memref<1x50xi32, #tpu.memory_space<vmem>> -> memref<50xi32, #tpu.memory_space<vmem>>
    %dma_wait3A_126 = arith.constant 0 : i32
    %dma_wait3A_127 = arith.constant 0 : i32
    %dma_wait3A_128 = tpu.memref_slice %arg7[%dma_wait3A_126, %dma_wait3A_127] : memref<100000x32xf32, #tpu.memory_space<hbm>> -> memref<100000x32xf32, #tpu.memory_space<hbm>>
    tpu.wait_indirect_dma semaphore(%arg16 : memref<!tpu.dma_semaphore, #tpu.memory_space<semaphore_mem>>) src(%dma_wait3A_128 : memref<100000x32xf32, #tpu.memory_space<hbm>>) dst(%dma_wait3A_122 : memref<50x32xf32, #tpu.memory_space<vmem>>)
    %dma_wait3A_129 = arith.constant 5 : i32
    %dma_wait3A_130 = arith.constant 250 : i32
    %dma_wait3A_131 = arith.constant 0 : i32
    %dma_wait3A_132 = tpu.memref_slice %arg11[%dma_wait3A_130, %dma_wait3A_131] : memref<400x32xf32, #tpu.memory_space<vmem>> -> memref<50x32xf32, #tpu.memory_space<vmem>>
    %dma_wait3A_133 = arith.constant 0 : i32
    %dma_wait3A_134 = tpu.memref_slice %arg10[%dma_wait3A_129, %dma_wait3A_133] : memref<8x50xi32, #tpu.memory_space<vmem>> -> memref<1x50xi32, #tpu.memory_space<vmem>>
    %dma_wait3A_135 = tpu.memref_squeeze %dma_wait3A_134 : memref<1x50xi32, #tpu.memory_space<vmem>> -> memref<50xi32, #tpu.memory_space<vmem>>
    %dma_wait3A_136 = arith.constant 0 : i32
    %dma_wait3A_137 = arith.constant 0 : i32
    %dma_wait3A_138 = tpu.memref_slice %arg7[%dma_wait3A_136, %dma_wait3A_137] : memref<100000x32xf32, #tpu.memory_space<hbm>> -> memref<100000x32xf32, #tpu.memory_space<hbm>>
    tpu.wait_indirect_dma semaphore(%arg16 : memref<!tpu.dma_semaphore, #tpu.memory_space<semaphore_mem>>) src(%dma_wait3A_138 : memref<100000x32xf32, #tpu.memory_space<hbm>>) dst(%dma_wait3A_132 : memref<50x32xf32, #tpu.memory_space<vmem>>)
    %dma_wait3A_139 = arith.constant 6 : i32
    %dma_wait3A_140 = arith.constant 300 : i32
    %dma_wait3A_141 = arith.constant 0 : i32
    %dma_wait3A_142 = tpu.memref_slice %arg11[%dma_wait3A_140, %dma_wait3A_141] : memref<400x32xf32, #tpu.memory_space<vmem>> -> memref<50x32xf32, #tpu.memory_space<vmem>>
    %dma_wait3A_143 = arith.constant 0 : i32
    %dma_wait3A_144 = tpu.memref_slice %arg10[%dma_wait3A_139, %dma_wait3A_143] : memref<8x50xi32, #tpu.memory_space<vmem>> -> memref<1x50xi32, #tpu.memory_space<vmem>>
    %dma_wait3A_145 = tpu.memref_squeeze %dma_wait3A_144 : memref<1x50xi32, #tpu.memory_space<vmem>> -> memref<50xi32, #tpu.memory_space<vmem>>
    %dma_wait3A_146 = arith.constant 0 : i32
    %dma_wait3A_147 = arith.constant 0 : i32
    %dma_wait3A_148 = tpu.memref_slice %arg7[%dma_wait3A_146, %dma_wait3A_147] : memref<100000x32xf32, #tpu.memory_space<hbm>> -> memref<100000x32xf32, #tpu.memory_space<hbm>>
    tpu.wait_indirect_dma semaphore(%arg16 : memref<!tpu.dma_semaphore, #tpu.memory_space<semaphore_mem>>) src(%dma_wait3A_148 : memref<100000x32xf32, #tpu.memory_space<hbm>>) dst(%dma_wait3A_142 : memref<50x32xf32, #tpu.memory_space<vmem>>)
    %dma_wait3A_149 = arith.constant 7 : i32
    %dma_wait3A_150 = arith.constant 350 : i32
    %dma_wait3A_151 = arith.constant 0 : i32
    %dma_wait3A_152 = tpu.memref_slice %arg11[%dma_wait3A_150, %dma_wait3A_151] : memref<400x32xf32, #tpu.memory_space<vmem>> -> memref<50x32xf32, #tpu.memory_space<vmem>>
    %dma_wait3A_153 = arith.constant 0 : i32
    %dma_wait3A_154 = tpu.memref_slice %arg10[%dma_wait3A_149, %dma_wait3A_153] : memref<8x50xi32, #tpu.memory_space<vmem>> -> memref<1x50xi32, #tpu.memory_space<vmem>>
    %dma_wait3A_155 = tpu.memref_squeeze %dma_wait3A_154 : memref<1x50xi32, #tpu.memory_space<vmem>> -> memref<50xi32, #tpu.memory_space<vmem>>
    %dma_wait3A_156 = arith.constant 0 : i32
    %dma_wait3A_157 = arith.constant 0 : i32
    %dma_wait3A_158 = tpu.memref_slice %arg7[%dma_wait3A_156, %dma_wait3A_157] : memref<100000x32xf32, #tpu.memory_space<hbm>> -> memref<100000x32xf32, #tpu.memory_space<hbm>>
    tpu.wait_indirect_dma semaphore(%arg16 : memref<!tpu.dma_semaphore, #tpu.memory_space<semaphore_mem>>) src(%dma_wait3A_158 : memref<100000x32xf32, #tpu.memory_space<hbm>>) dst(%dma_wait3A_152 : memref<50x32xf32, #tpu.memory_space<vmem>>)
    %add3A_159 = arith.constant 0 : i32
    %add3A_160 = arith.addi %add3A, %add3A_159 : i32
    %lt3A = arith.constant 50 : i32
    %lt3A_161 = arith.cmpi slt, %add3A_160, %lt3A : i32
    %convert_element_type3A = arith.extui %lt3A_161 : i1 to i32
    %cond3A = arith.constant 0 : i32
    %cond3A_162 = arith.cmpi ne, %convert_element_type3A, %cond3A : i32
    scf.if %cond3A_162 {
      %mul3A_174 = arith.constant 16 : i32
      %mul3A_175 = arith.muli %add3A_160, %mul3A_174 : i32
      %get3A = arith.index_cast %mul3A_175 : i32 to index
      %get3A_176 = tpu.vector_load %arg12[%get3A] {strides = array<i32>} : memref<800xi32, #tpu.memory_space<vmem>>, vector<16xi32>,
      %mul3A_177 = arith.constant 16 : i32
      %mul3A_178 = arith.muli %add3A_160, %mul3A_177 : i32
      %get3A_179 = arith.index_cast %mul3A_178 : i32 to index
      %get3A_180 = tpu.vector_load %arg13[%get3A_179] {strides = array<i32>} : memref<800xi32, #tpu.memory_space<vmem>>, vector<16xi32>,
      %mul3A_181 = arith.constant 16 : i32
      %mul3A_182 = arith.muli %add3A_160, %mul3A_181 : i32
      %get3A_183 = arith.index_cast %mul3A_182 : i32 to index
      %get3A_184 = tpu.vector_load %arg14[%get3A_183] {strides = array<i32>} : memref<800xf32, #tpu.memory_space<vmem>>, vector<16xf32>,
      %broadcast_in_dim3A = arith.constant 0 : i32
      %broadcast_in_dim3A_185 = vector.broadcast %broadcast_in_dim3A : i32 to vector<16xi32>
      %gather3A = tpu.vector_load_idx %arg11[%get3A_176, %broadcast_in_dim3A_185] : memref<400x32xf32, #tpu.memory_space<vmem>>[vector<16xi32>, vector<16xi32>], vector<16xf32>,
      %mul3A_186 = arith.mulf %get3A_184, %gather3A : vector<16xf32>
      tpu.vector_store_idx %arg15[%get3A_180, %broadcast_in_dim3A_185], %mul3A_186 {add = true} : memref<400x32xf32, #tpu.memory_space<vmem>>[vector<16xi32>, vector<16xi32>], vector<16xf32>,
      %broadcast_in_dim3A_187 = arith.constant 1 : i32
      %broadcast_in_dim3A_188 = vector.broadcast %broadcast_in_dim3A_187 : i32 to vector<16xi32>
      %gather3A_189 = tpu.vector_load_idx %arg11[%get3A_176, %broadcast_in_dim3A_188] : memref<400x32xf32, #tpu.memory_space<vmem>>[vector<16xi32>, vector<16xi32>], vector<16xf32>,
      %mul3A_190 = arith.mulf %get3A_184, %gather3A_189 : vector<16xf32>
      tpu.vector_store_idx %arg15[%get3A_180, %broadcast_in_dim3A_188], %mul3A_190 {add = true} : memref<400x32xf32, #tpu.memory_space<vmem>>[vector<16xi32>, vector<16xi32>], vector<16xf32>,
      %broadcast_in_dim3A_191 = arith.constant 2 : i32
      %broadcast_in_dim3A_192 = vector.broadcast %broadcast_in_dim3A_191 : i32 to vector<16xi32>
      %gather3A_193 = tpu.vector_load_idx %arg11[%get3A_176, %broadcast_in_dim3A_192] : memref<400x32xf32, #tpu.memory_space<vmem>>[vector<16xi32>, vector<16xi32>], vector<16xf32>,
      %mul3A_194 = arith.mulf %get3A_184, %gather3A_193 : vector<16xf32>
      tpu.vector_store_idx %arg15[%get3A_180, %broadcast_in_dim3A_192], %mul3A_194 {add = true} : memref<400x32xf32, #tpu.memory_space<vmem>>[vector<16xi32>, vector<16xi32>], vector<16xf32>,
      %broadcast_in_dim3A_195 = arith.constant 3 : i32
      %broadcast_in_dim3A_196 = vector.broadcast %broadcast_in_dim3A_195 : i32 to vector<16xi32>
      %gather3A_197 = tpu.vector_load_idx %arg11[%get3A_176, %broadcast_in_dim3A_196] : memref<400x32xf32, #tpu.memory_space<vmem>>[vector<16xi32>, vector<16xi32>], vector<16xf32>,
      %mul3A_198 = arith.mulf %get3A_184, %gather3A_197 : vector<16xf32>
      tpu.vector_store_idx %arg15[%get3A_180, %broadcast_in_dim3A_196], %mul3A_198 {add = true} : memref<400x32xf32, #tpu.memory_space<vmem>>[vector<16xi32>, vector<16xi32>], vector<16xf32>,
      %broadcast_in_dim3A_199 = arith.constant 4 : i32
      %broadcast_in_dim3A_200 = vector.broadcast %broadcast_in_dim3A_199 : i32 to vector<16xi32>
      %gather3A_201 = tpu.vector_load_idx %arg11[%get3A_176, %broadcast_in_dim3A_200] : memref<400x32xf32, #tpu.memory_space<vmem>>[vector<16xi32>, vector<16xi32>], vector<16xf32>,
      %mul3A_202 = arith.mulf %get3A_184, %gather3A_201 : vector<16xf32>
      tpu.vector_store_idx %arg15[%get3A_180, %broadcast_in_dim3A_200], %mul3A_202 {add = true} : memref<400x32xf32, #tpu.memory_space<vmem>>[vector<16xi32>, vector<16xi32>], vector<16xf32>,
      %broadcast_in_dim3A_203 = arith.constant 5 : i32
      %broadcast_in_dim3A_204 = vector.broadcast %broadcast_in_dim3A_203 : i32 to vector<16xi32>
      %gather3A_205 = tpu.vector_load_idx %arg11[%get3A_176, %broadcast_in_dim3A_204] : memref<400x32xf32, #tpu.memory_space<vmem>>[vector<16xi32>, vector<16xi32>], vector<16xf32>,
      %mul3A_206 = arith.mulf %get3A_184, %gather3A_205 : vector<16xf32>
      tpu.vector_store_idx %arg15[%get3A_180, %broadcast_in_dim3A_204], %mul3A_206 {add = true} : memref<400x32xf32, #tpu.memory_space<vmem>>[vector<16xi32>, vector<16xi32>], vector<16xf32>,
      %broadcast_in_dim3A_207 = arith.constant 6 : i32
      %broadcast_in_dim3A_208 = vector.broadcast %broadcast_in_dim3A_207 : i32 to vector<16xi32>
      %gather3A_209 = tpu.vector_load_idx %arg11[%get3A_176, %broadcast_in_dim3A_208] : memref<400x32xf32, #tpu.memory_space<vmem>>[vector<16xi32>, vector<16xi32>], vector<16xf32>,
      %mul3A_210 = arith.mulf %get3A_184, %gather3A_209 : vector<16xf32>
      tpu.vector_store_idx %arg15[%get3A_180, %broadcast_in_dim3A_208], %mul3A_210 {add = true} : memref<400x32xf32, #tpu.memory_space<vmem>>[vector<16xi32>, vector<16xi32>], vector<16xf32>,
      %broadcast_in_dim3A_211 = arith.constant 7 : i32
      %broadcast_in_dim3A_212 = vector.broadcast %broadcast_in_dim3A_211 : i32 to vector<16xi32>
      %gather3A_213 = tpu.vector_load_idx %arg11[%get3A_176, %broadcast_in_dim3A_212] : memref<400x32xf32, #tpu.memory_space<vmem>>[vector<16xi32>, vector<16xi32>], vector<16xf32>,
      %mul3A_214 = arith.mulf %get3A_184, %gather3A_213 : vector<16xf32>
      tpu.vector_store_idx %arg15[%get3A_180, %broadcast_in_dim3A_212], %mul3A_214 {add = true} : memref<400x32xf32, #tpu.memory_space<vmem>>[vector<16xi32>, vector<16xi32>], vector<16xf32>,
      %broadcast_in_dim3A_215 = arith.constant 8 : i32
      %broadcast_in_dim3A_216 = vector.broadcast %broadcast_in_dim3A_215 : i32 to vector<16xi32>
      %gather3A_217 = tpu.vector_load_idx %arg11[%get3A_176, %broadcast_in_dim3A_216] : memref<400x32xf32, #tpu.memory_space<vmem>>[vector<16xi32>, vector<16xi32>], vector<16xf32>,
      %mul3A_218 = arith.mulf %get3A_184, %gather3A_217 : vector<16xf32>
      tpu.vector_store_idx %arg15[%get3A_180, %broadcast_in_dim3A_216], %mul3A_218 {add = true} : memref<400x32xf32, #tpu.memory_space<vmem>>[vector<16xi32>, vector<16xi32>], vector<16xf32>,
      %broadcast_in_dim3A_219 = arith.constant 9 : i32
      %broadcast_in_dim3A_220 = vector.broadcast %broadcast_in_dim3A_219 : i32 to vector<16xi32>
      %gather3A_221 = tpu.vector_load_idx %arg11[%get3A_176, %broadcast_in_dim3A_220] : memref<400x32xf32, #tpu.memory_space<vmem>>[vector<16xi32>, vector<16xi32>], vector<16xf32>,
      %mul3A_222 = arith.mulf %get3A_184, %gather3A_221 : vector<16xf32>
      tpu.vector_store_idx %arg15[%get3A_180, %broadcast_in_dim3A_220], %mul3A_222 {add = true} : memref<400x32xf32, #tpu.memory_space<vmem>>[vector<16xi32>, vector<16xi32>], vector<16xf32>,
      %broadcast_in_dim3A_223 = arith.constant 10 : i32
      %broadcast_in_dim3A_224 = vector.broadcast %broadcast_in_dim3A_223 : i32 to vector<16xi32>
      %gather3A_225 = tpu.vector_load_idx %arg11[%get3A_176, %broadcast_in_dim3A_224] : memref<400x32xf32, #tpu.memory_space<vmem>>[vector<16xi32>, vector<16xi32>], vector<16xf32>,
      %mul3A_226 = arith.mulf %get3A_184, %gather3A_225 : vector<16xf32>
      tpu.vector_store_idx %arg15[%get3A_180, %broadcast_in_dim3A_224], %mul3A_226 {add = true} : memref<400x32xf32, #tpu.memory_space<vmem>>[vector<16xi32>, vector<16xi32>], vector<16xf32>,
      %broadcast_in_dim3A_227 = arith.constant 11 : i32
      %broadcast_in_dim3A_228 = vector.broadcast %broadcast_in_dim3A_227 : i32 to vector<16xi32>
      %gather3A_229 = tpu.vector_load_idx %arg11[%get3A_176, %broadcast_in_dim3A_228] : memref<400x32xf32, #tpu.memory_space<vmem>>[vector<16xi32>, vector<16xi32>], vector<16xf32>,
      %mul3A_230 = arith.mulf %get3A_184, %gather3A_229 : vector<16xf32>
      tpu.vector_store_idx %arg15[%get3A_180, %broadcast_in_dim3A_228], %mul3A_230 {add = true} : memref<400x32xf32, #tpu.memory_space<vmem>>[vector<16xi32>, vector<16xi32>], vector<16xf32>,
      %broadcast_in_dim3A_231 = arith.constant 12 : i32
      %broadcast_in_dim3A_232 = vector.broadcast %broadcast_in_dim3A_231 : i32 to vector<16xi32>
      %gather3A_233 = tpu.vector_load_idx %arg11[%get3A_176, %broadcast_in_dim3A_232] : memref<400x32xf32, #tpu.memory_space<vmem>>[vector<16xi32>, vector<16xi32>], vector<16xf32>,
      %mul3A_234 = arith.mulf %get3A_184, %gather3A_233 : vector<16xf32>
      tpu.vector_store_idx %arg15[%get3A_180, %broadcast_in_dim3A_232], %mul3A_234 {add = true} : memref<400x32xf32, #tpu.memory_space<vmem>>[vector<16xi32>, vector<16xi32>], vector<16xf32>,
      %broadcast_in_dim3A_235 = arith.constant 13 : i32
      %broadcast_in_dim3A_236 = vector.broadcast %broadcast_in_dim3A_235 : i32 to vector<16xi32>
      %gather3A_237 = tpu.vector_load_idx %arg11[%get3A_176, %broadcast_in_dim3A_236] : memref<400x32xf32, #tpu.memory_space<vmem>>[vector<16xi32>, vector<16xi32>], vector<16xf32>,
      %mul3A_238 = arith.mulf %get3A_184, %gather3A_237 : vector<16xf32>
      tpu.vector_store_idx %arg15[%get3A_180, %broadcast_in_dim3A_236], %mul3A_238 {add = true} : memref<400x32xf32, #tpu.memory_space<vmem>>[vector<16xi32>, vector<16xi32>], vector<16xf32>,
      %broadcast_in_dim3A_239 = arith.constant 14 : i32
      %broadcast_in_dim3A_240 = vector.broadcast %broadcast_in_dim3A_239 : i32 to vector<16xi32>
      %gather3A_241 = tpu.vector_load_idx %arg11[%get3A_176, %broadcast_in_dim3A_240] : memref<400x32xf32, #tpu.memory_space<vmem>>[vector<16xi32>, vector<16xi32>], vector<16xf32>,
      %mul3A_242 = arith.mulf %get3A_184, %gather3A_241 : vector<16xf32>
      tpu.vector_store_idx %arg15[%get3A_180, %broadcast_in_dim3A_240], %mul3A_242 {add = true} : memref<400x32xf32, #tpu.memory_space<vmem>>[vector<16xi32>, vector<16xi32>], vector<16xf32>,
      %broadcast_in_dim3A_243 = arith.constant 15 : i32
      %broadcast_in_dim3A_244 = vector.broadcast %broadcast_in_dim3A_243 : i32 to vector<16xi32>
      %gather3A_245 = tpu.vector_load_idx %arg11[%get3A_176, %broadcast_in_dim3A_244] : memref<400x32xf32, #tpu.memory_space<vmem>>[vector<16xi32>, vector<16xi32>], vector<16xf32>,
      %mul3A_246 = arith.mulf %get3A_184, %gather3A_245 : vector<16xf32>
      tpu.vector_store_idx %arg15[%get3A_180, %broadcast_in_dim3A_244], %mul3A_246 {add = true} : memref<400x32xf32, #tpu.memory_space<vmem>>[vector<16xi32>, vector<16xi32>], vector<16xf32>,
      %broadcast_in_dim3A_247 = arith.constant 16 : i32
      %broadcast_in_dim3A_248 = vector.broadcast %broadcast_in_dim3A_247 : i32 to vector<16xi32>
      %gather3A_249 = tpu.vector_load_idx %arg11[%get3A_176, %broadcast_in_dim3A_248] : memref<400x32xf32, #tpu.memory_space<vmem>>[vector<16xi32>, vector<16xi32>], vector<16xf32>,
      %mul3A_250 = arith.mulf %get3A_184, %gather3A_249 : vector<16xf32>
      tpu.vector_store_idx %arg15[%get3A_180, %broadcast_in_dim3A_248], %mul3A_250 {add = true} : memref<400x32xf32, #tpu.memory_space<vmem>>[vector<16xi32>, vector<16xi32>], vector<16xf32>,
      %broadcast_in_dim3A_251 = arith.constant 17 : i32
      %broadcast_in_dim3A_252 = vector.broadcast %broadcast_in_dim3A_251 : i32 to vector<16xi32>
      %gather3A_253 = tpu.vector_load_idx %arg11[%get3A_176, %broadcast_in_dim3A_252] : memref<400x32xf32, #tpu.memory_space<vmem>>[vector<16xi32>, vector<16xi32>], vector<16xf32>,
      %mul3A_254 = arith.mulf %get3A_184, %gather3A_253 : vector<16xf32>
      tpu.vector_store_idx %arg15[%get3A_180, %broadcast_in_dim3A_252], %mul3A_254 {add = true} : memref<400x32xf32, #tpu.memory_space<vmem>>[vector<16xi32>, vector<16xi32>], vector<16xf32>,
      %broadcast_in_dim3A_255 = arith.constant 18 : i32
      %broadcast_in_dim3A_256 = vector.broadcast %broadcast_in_dim3A_255 : i32 to vector<16xi32>
      %gather3A_257 = tpu.vector_load_idx %arg11[%get3A_176, %broadcast_in_dim3A_256] : memref<400x32xf32, #tpu.memory_space<vmem>>[vector<16xi32>, vector<16xi32>], vector<16xf32>,
      %mul3A_258 = arith.mulf %get3A_184, %gather3A_257 : vector<16xf32>
      tpu.vector_store_idx %arg15[%get3A_180, %broadcast_in_dim3A_256], %mul3A_258 {add = true} : memref<400x32xf32, #tpu.memory_space<vmem>>[vector<16xi32>, vector<16xi32>], vector<16xf32>,
      %broadcast_in_dim3A_259 = arith.constant 19 : i32
      %broadcast_in_dim3A_260 = vector.broadcast %broadcast_in_dim3A_259 : i32 to vector<16xi32>
      %gather3A_261 = tpu.vector_load_idx %arg11[%get3A_176, %broadcast_in_dim3A_260] : memref<400x32xf32, #tpu.memory_space<vmem>>[vector<16xi32>, vector<16xi32>], vector<16xf32>,
      %mul3A_262 = arith.mulf %get3A_184, %gather3A_261 : vector<16xf32>
      tpu.vector_store_idx %arg15[%get3A_180, %broadcast_in_dim3A_260], %mul3A_262 {add = true} : memref<400x32xf32, #tpu.memory_space<vmem>>[vector<16xi32>, vector<16xi32>], vector<16xf32>,
      %broadcast_in_dim3A_263 = arith.constant 20 : i32
      %broadcast_in_dim3A_264 = vector.broadcast %broadcast_in_dim3A_263 : i32 to vector<16xi32>
      %gather3A_265 = tpu.vector_load_idx %arg11[%get3A_176, %broadcast_in_dim3A_264] : memref<400x32xf32, #tpu.memory_space<vmem>>[vector<16xi32>, vector<16xi32>], vector<16xf32>,
      %mul3A_266 = arith.mulf %get3A_184, %gather3A_265 : vector<16xf32>
      tpu.vector_store_idx %arg15[%get3A_180, %broadcast_in_dim3A_264], %mul3A_266 {add = true} : memref<400x32xf32, #tpu.memory_space<vmem>>[vector<16xi32>, vector<16xi32>], vector<16xf32>,
      %broadcast_in_dim3A_267 = arith.constant 21 : i32
      %broadcast_in_dim3A_268 = vector.broadcast %broadcast_in_dim3A_267 : i32 to vector<16xi32>
      %gather3A_269 = tpu.vector_load_idx %arg11[%get3A_176, %broadcast_in_dim3A_268] : memref<400x32xf32, #tpu.memory_space<vmem>>[vector<16xi32>, vector<16xi32>], vector<16xf32>,
      %mul3A_270 = arith.mulf %get3A_184, %gather3A_269 : vector<16xf32>
      tpu.vector_store_idx %arg15[%get3A_180, %broadcast_in_dim3A_268], %mul3A_270 {add = true} : memref<400x32xf32, #tpu.memory_space<vmem>>[vector<16xi32>, vector<16xi32>], vector<16xf32>,
      %broadcast_in_dim3A_271 = arith.constant 22 : i32
      %broadcast_in_dim3A_272 = vector.broadcast %broadcast_in_dim3A_271 : i32 to vector<16xi32>
      %gather3A_273 = tpu.vector_load_idx %arg11[%get3A_176, %broadcast_in_dim3A_272] : memref<400x32xf32, #tpu.memory_space<vmem>>[vector<16xi32>, vector<16xi32>], vector<16xf32>,
      %mul3A_274 = arith.mulf %get3A_184, %gather3A_273 : vector<16xf32>
      tpu.vector_store_idx %arg15[%get3A_180, %broadcast_in_dim3A_272], %mul3A_274 {add = true} : memref<400x32xf32, #tpu.memory_space<vmem>>[vector<16xi32>, vector<16xi32>], vector<16xf32>,
      %broadcast_in_dim3A_275 = arith.constant 23 : i32
      %broadcast_in_dim3A_276 = vector.broadcast %broadcast_in_dim3A_275 : i32 to vector<16xi32>
      %gather3A_277 = tpu.vector_load_idx %arg11[%get3A_176, %broadcast_in_dim3A_276] : memref<400x32xf32, #tpu.memory_space<vmem>>[vector<16xi32>, vector<16xi32>], vector<16xf32>,
      %mul3A_278 = arith.mulf %get3A_184, %gather3A_277 : vector<16xf32>
      tpu.vector_store_idx %arg15[%get3A_180, %broadcast_in_dim3A_276], %mul3A_278 {add = true} : memref<400x32xf32, #tpu.memory_space<vmem>>[vector<16xi32>, vector<16xi32>], vector<16xf32>,
      %broadcast_in_dim3A_279 = arith.constant 24 : i32
      %broadcast_in_dim3A_280 = vector.broadcast %broadcast_in_dim3A_279 : i32 to vector<16xi32>
      %gather3A_281 = tpu.vector_load_idx %arg11[%get3A_176, %broadcast_in_dim3A_280] : memref<400x32xf32, #tpu.memory_space<vmem>>[vector<16xi32>, vector<16xi32>], vector<16xf32>,
      %mul3A_282 = arith.mulf %get3A_184, %gather3A_281 : vector<16xf32>
      tpu.vector_store_idx %arg15[%get3A_180, %broadcast_in_dim3A_280], %mul3A_282 {add = true} : memref<400x32xf32, #tpu.memory_space<vmem>>[vector<16xi32>, vector<16xi32>], vector<16xf32>,
      %broadcast_in_dim3A_283 = arith.constant 25 : i32
      %broadcast_in_dim3A_284 = vector.broadcast %broadcast_in_dim3A_283 : i32 to vector<16xi32>
      %gather3A_285 = tpu.vector_load_idx %arg11[%get3A_176, %broadcast_in_dim3A_284] : memref<400x32xf32, #tpu.memory_space<vmem>>[vector<16xi32>, vector<16xi32>], vector<16xf32>,
      %mul3A_286 = arith.mulf %get3A_184, %gather3A_285 : vector<16xf32>
      tpu.vector_store_idx %arg15[%get3A_180, %broadcast_in_dim3A_284], %mul3A_286 {add = true} : memref<400x32xf32, #tpu.memory_space<vmem>>[vector<16xi32>, vector<16xi32>], vector<16xf32>,
      %broadcast_in_dim3A_287 = arith.constant 26 : i32
      %broadcast_in_dim3A_288 = vector.broadcast %broadcast_in_dim3A_287 : i32 to vector<16xi32>
      %gather3A_289 = tpu.vector_load_idx %arg11[%get3A_176, %broadcast_in_dim3A_288] : memref<400x32xf32, #tpu.memory_space<vmem>>[vector<16xi32>, vector<16xi32>], vector<16xf32>,
      %mul3A_290 = arith.mulf %get3A_184, %gather3A_289 : vector<16xf32>
      tpu.vector_store_idx %arg15[%get3A_180, %broadcast_in_dim3A_288], %mul3A_290 {add = true} : memref<400x32xf32, #tpu.memory_space<vmem>>[vector<16xi32>, vector<16xi32>], vector<16xf32>,
      %broadcast_in_dim3A_291 = arith.constant 27 : i32
      %broadcast_in_dim3A_292 = vector.broadcast %broadcast_in_dim3A_291 : i32 to vector<16xi32>
      %gather3A_293 = tpu.vector_load_idx %arg11[%get3A_176, %broadcast_in_dim3A_292] : memref<400x32xf32, #tpu.memory_space<vmem>>[vector<16xi32>, vector<16xi32>], vector<16xf32>,
      %mul3A_294 = arith.mulf %get3A_184, %gather3A_293 : vector<16xf32>
      tpu.vector_store_idx %arg15[%get3A_180, %broadcast_in_dim3A_292], %mul3A_294 {add = true} : memref<400x32xf32, #tpu.memory_space<vmem>>[vector<16xi32>, vector<16xi32>], vector<16xf32>,
      %broadcast_in_dim3A_295 = arith.constant 28 : i32
      %broadcast_in_dim3A_296 = vector.broadcast %broadcast_in_dim3A_295 : i32 to vector<16xi32>
      %gather3A_297 = tpu.vector_load_idx %arg11[%get3A_176, %broadcast_in_dim3A_296] : memref<400x32xf32, #tpu.memory_space<vmem>>[vector<16xi32>, vector<16xi32>], vector<16xf32>,
      %mul3A_298 = arith.mulf %get3A_184, %gather3A_297 : vector<16xf32>
      tpu.vector_store_idx %arg15[%get3A_180, %broadcast_in_dim3A_296], %mul3A_298 {add = true} : memref<400x32xf32, #tpu.memory_space<vmem>>[vector<16xi32>, vector<16xi32>], vector<16xf32>,
      %broadcast_in_dim3A_299 = arith.constant 29 : i32
      %broadcast_in_dim3A_300 = vector.broadcast %broadcast_in_dim3A_299 : i32 to vector<16xi32>
      %gather3A_301 = tpu.vector_load_idx %arg11[%get3A_176, %broadcast_in_dim3A_300] : memref<400x32xf32, #tpu.memory_space<vmem>>[vector<16xi32>, vector<16xi32>], vector<16xf32>,
      %mul3A_302 = arith.mulf %get3A_184, %gather3A_301 : vector<16xf32>
      tpu.vector_store_idx %arg15[%get3A_180, %broadcast_in_dim3A_300], %mul3A_302 {add = true} : memref<400x32xf32, #tpu.memory_space<vmem>>[vector<16xi32>, vector<16xi32>], vector<16xf32>,
      %broadcast_in_dim3A_303 = arith.constant 30 : i32
      %broadcast_in_dim3A_304 = vector.broadcast %broadcast_in_dim3A_303 : i32 to vector<16xi32>
      %gather3A_305 = tpu.vector_load_idx %arg11[%get3A_176, %broadcast_in_dim3A_304] : memref<400x32xf32, #tpu.memory_space<vmem>>[vector<16xi32>, vector<16xi32>], vector<16xf32>,
      %mul3A_306 = arith.mulf %get3A_184, %gather3A_305 : vector<16xf32>
      tpu.vector_store_idx %arg15[%get3A_180, %broadcast_in_dim3A_304], %mul3A_306 {add = true} : memref<400x32xf32, #tpu.memory_space<vmem>>[vector<16xi32>, vector<16xi32>], vector<16xf32>,
      %broadcast_in_dim3A_307 = arith.constant 31 : i32
      %broadcast_in_dim3A_308 = vector.broadcast %broadcast_in_dim3A_307 : i32 to vector<16xi32>
      %gather3A_309 = tpu.vector_load_idx %arg11[%get3A_176, %broadcast_in_dim3A_308] : memref<400x32xf32, #tpu.memory_space<vmem>>[vector<16xi32>, vector<16xi32>], vector<16xf32>,
      %mul3A_310 = arith.mulf %get3A_184, %gather3A_309 : vector<16xf32>
      tpu.vector_store_idx %arg15[%get3A_180, %broadcast_in_dim3A_308], %mul3A_310 {add = true} : memref<400x32xf32, #tpu.memory_space<vmem>>[vector<16xi32>, vector<16xi32>], vector<16xf32>,
    } else {
    }
    %add3A_163 = arith.constant 32 : i32
    %add3A_164 = arith.addi %add3A, %add3A_163 : i32
    %lt3A_165 = arith.constant 50 : i32
    %lt3A_166 = arith.cmpi slt, %add3A_164, %lt3A_165 : i32
    %convert_element_type3A_167 = arith.extui %lt3A_166 : i1 to i32
    %cond3A_168 = arith.constant 0 : i32
    %cond3A_169 = arith.cmpi ne, %convert_element_type3A_167, %cond3A_168 : i32
    scf.if %cond3A_169 {
      %mul3A_174 = arith.constant 16 : i32
      %mul3A_175 = arith.muli %add3A_164, %mul3A_174 : i32
      %get3A = arith.index_cast %mul3A_175 : i32 to index
      %get3A_176 = tpu.vector_load %arg12[%get3A] {strides = array<i32>} : memref<800xi32, #tpu.memory_space<vmem>>, vector<16xi32>,
      %mul3A_177 = arith.constant 16 : i32
      %mul3A_178 = arith.muli %add3A_164, %mul3A_177 : i32
      %get3A_179 = arith.index_cast %mul3A_178 : i32 to index
      %get3A_180 = tpu.vector_load %arg13[%get3A_179] {strides = array<i32>} : memref<800xi32, #tpu.memory_space<vmem>>, vector<16xi32>,
      %mul3A_181 = arith.constant 16 : i32
      %mul3A_182 = arith.muli %add3A_164, %mul3A_181 : i32
      %get3A_183 = arith.index_cast %mul3A_182 : i32 to index
      %get3A_184 = tpu.vector_load %arg14[%get3A_183] {strides = array<i32>} : memref<800xf32, #tpu.memory_space<vmem>>, vector<16xf32>,
      %broadcast_in_dim3A = arith.constant 0 : i32
      %broadcast_in_dim3A_185 = vector.broadcast %broadcast_in_dim3A : i32 to vector<16xi32>
      %gather3A = tpu.vector_load_idx %arg11[%get3A_176, %broadcast_in_dim3A_185] : memref<400x32xf32, #tpu.memory_space<vmem>>[vector<16xi32>, vector<16xi32>], vector<16xf32>,
      %mul3A_186 = arith.mulf %get3A_184, %gather3A : vector<16xf32>
      tpu.vector_store_idx %arg15[%get3A_180, %broadcast_in_dim3A_185], %mul3A_186 {add = true} : memref<400x32xf32, #tpu.memory_space<vmem>>[vector<16xi32>, vector<16xi32>], vector<16xf32>,
      %broadcast_in_dim3A_187 = arith.constant 1 : i32
      %broadcast_in_dim3A_188 = vector.broadcast %broadcast_in_dim3A_187 : i32 to vector<16xi32>
      %gather3A_189 = tpu.vector_load_idx %arg11[%get3A_176, %broadcast_in_dim3A_188] : memref<400x32xf32, #tpu.memory_space<vmem>>[vector<16xi32>, vector<16xi32>], vector<16xf32>,
      %mul3A_190 = arith.mulf %get3A_184, %gather3A_189 : vector<16xf32>
      tpu.vector_store_idx %arg15[%get3A_180, %broadcast_in_dim3A_188], %mul3A_190 {add = true} : memref<400x32xf32, #tpu.memory_space<vmem>>[vector<16xi32>, vector<16xi32>], vector<16xf32>,
      %broadcast_in_dim3A_191 = arith.constant 2 : i32
      %broadcast_in_dim3A_192 = vector.broadcast %broadcast_in_dim3A_191 : i32 to vector<16xi32>
      %gather3A_193 = tpu.vector_load_idx %arg11[%get3A_176, %broadcast_in_dim3A_192] : memref<400x32xf32, #tpu.memory_space<vmem>>[vector<16xi32>, vector<16xi32>], vector<16xf32>,
      %mul3A_194 = arith.mulf %get3A_184, %gather3A_193 : vector<16xf32>
      tpu.vector_store_idx %arg15[%get3A_180, %broadcast_in_dim3A_192], %mul3A_194 {add = true} : memref<400x32xf32, #tpu.memory_space<vmem>>[vector<16xi32>, vector<16xi32>], vector<16xf32>,
      %broadcast_in_dim3A_195 = arith.constant 3 : i32
      %broadcast_in_dim3A_196 = vector.broadcast %broadcast_in_dim3A_195 : i32 to vector<16xi32>
      %gather3A_197 = tpu.vector_load_idx %arg11[%get3A_176, %broadcast_in_dim3A_196] : memref<400x32xf32, #tpu.memory_space<vmem>>[vector<16xi32>, vector<16xi32>], vector<16xf32>,
      %mul3A_198 = arith.mulf %get3A_184, %gather3A_197 : vector<16xf32>
      tpu.vector_store_idx %arg15[%get3A_180, %broadcast_in_dim3A_196], %mul3A_198 {add = true} : memref<400x32xf32, #tpu.memory_space<vmem>>[vector<16xi32>, vector<16xi32>], vector<16xf32>,
      %broadcast_in_dim3A_199 = arith.constant 4 : i32
      %broadcast_in_dim3A_200 = vector.broadcast %broadcast_in_dim3A_199 : i32 to vector<16xi32>
      %gather3A_201 = tpu.vector_load_idx %arg11[%get3A_176, %broadcast_in_dim3A_200] : memref<400x32xf32, #tpu.memory_space<vmem>>[vector<16xi32>, vector<16xi32>], vector<16xf32>,
      %mul3A_202 = arith.mulf %get3A_184, %gather3A_201 : vector<16xf32>
      tpu.vector_store_idx %arg15[%get3A_180, %broadcast_in_dim3A_200], %mul3A_202 {add = true} : memref<400x32xf32, #tpu.memory_space<vmem>>[vector<16xi32>, vector<16xi32>], vector<16xf32>,
      %broadcast_in_dim3A_203 = arith.constant 5 : i32
      %broadcast_in_dim3A_204 = vector.broadcast %broadcast_in_dim3A_203 : i32 to vector<16xi32>
      %gather3A_205 = tpu.vector_load_idx %arg11[%get3A_176, %broadcast_in_dim3A_204] : memref<400x32xf32, #tpu.memory_space<vmem>>[vector<16xi32>, vector<16xi32>], vector<16xf32>,
      %mul3A_206 = arith.mulf %get3A_184, %gather3A_205 : vector<16xf32>
      tpu.vector_store_idx %arg15[%get3A_180, %broadcast_in_dim3A_204], %mul3A_206 {add = true} : memref<400x32xf32, #tpu.memory_space<vmem>>[vector<16xi32>, vector<16xi32>], vector<16xf32>,
      %broadcast_in_dim3A_207 = arith.constant 6 : i32
      %broadcast_in_dim3A_208 = vector.broadcast %broadcast_in_dim3A_207 : i32 to vector<16xi32>
      %gather3A_209 = tpu.vector_load_idx %arg11[%get3A_176, %broadcast_in_dim3A_208] : memref<400x32xf32, #tpu.memory_space<vmem>>[vector<16xi32>, vector<16xi32>], vector<16xf32>,
      %mul3A_210 = arith.mulf %get3A_184, %gather3A_209 : vector<16xf32>
      tpu.vector_store_idx %arg15[%get3A_180, %broadcast_in_dim3A_208], %mul3A_210 {add = true} : memref<400x32xf32, #tpu.memory_space<vmem>>[vector<16xi32>, vector<16xi32>], vector<16xf32>,
      %broadcast_in_dim3A_211 = arith.constant 7 : i32
      %broadcast_in_dim3A_212 = vector.broadcast %broadcast_in_dim3A_211 : i32 to vector<16xi32>
      %gather3A_213 = tpu.vector_load_idx %arg11[%get3A_176, %broadcast_in_dim3A_212] : memref<400x32xf32, #tpu.memory_space<vmem>>[vector<16xi32>, vector<16xi32>], vector<16xf32>,
      %mul3A_214 = arith.mulf %get3A_184, %gather3A_213 : vector<16xf32>
      tpu.vector_store_idx %arg15[%get3A_180, %broadcast_in_dim3A_212], %mul3A_214 {add = true} : memref<400x32xf32, #tpu.memory_space<vmem>>[vector<16xi32>, vector<16xi32>], vector<16xf32>,
      %broadcast_in_dim3A_215 = arith.constant 8 : i32
      %broadcast_in_dim3A_216 = vector.broadcast %broadcast_in_dim3A_215 : i32 to vector<16xi32>
      %gather3A_217 = tpu.vector_load_idx %arg11[%get3A_176, %broadcast_in_dim3A_216] : memref<400x32xf32, #tpu.memory_space<vmem>>[vector<16xi32>, vector<16xi32>], vector<16xf32>,
      %mul3A_218 = arith.mulf %get3A_184, %gather3A_217 : vector<16xf32>
      tpu.vector_store_idx %arg15[%get3A_180, %broadcast_in_dim3A_216], %mul3A_218 {add = true} : memref<400x32xf32, #tpu.memory_space<vmem>>[vector<16xi32>, vector<16xi32>], vector<16xf32>,
      %broadcast_in_dim3A_219 = arith.constant 9 : i32
      %broadcast_in_dim3A_220 = vector.broadcast %broadcast_in_dim3A_219 : i32 to vector<16xi32>
      %gather3A_221 = tpu.vector_load_idx %arg11[%get3A_176, %broadcast_in_dim3A_220] : memref<400x32xf32, #tpu.memory_space<vmem>>[vector<16xi32>, vector<16xi32>], vector<16xf32>,
      %mul3A_222 = arith.mulf %get3A_184, %gather3A_221 : vector<16xf32>
      tpu.vector_store_idx %arg15[%get3A_180, %broadcast_in_dim3A_220], %mul3A_222 {add = true} : memref<400x32xf32, #tpu.memory_space<vmem>>[vector<16xi32>, vector<16xi32>], vector<16xf32>,
      %broadcast_in_dim3A_223 = arith.constant 10 : i32
      %broadcast_in_dim3A_224 = vector.broadcast %broadcast_in_dim3A_223 : i32 to vector<16xi32>
      %gather3A_225 = tpu.vector_load_idx %arg11[%get3A_176, %broadcast_in_dim3A_224] : memref<400x32xf32, #tpu.memory_space<vmem>>[vector<16xi32>, vector<16xi32>], vector<16xf32>,
      %mul3A_226 = arith.mulf %get3A_184, %gather3A_225 : vector<16xf32>
      tpu.vector_store_idx %arg15[%get3A_180, %broadcast_in_dim3A_224], %mul3A_226 {add = true} : memref<400x32xf32, #tpu.memory_space<vmem>>[vector<16xi32>, vector<16xi32>], vector<16xf32>,
      %broadcast_in_dim3A_227 = arith.constant 11 : i32
      %broadcast_in_dim3A_228 = vector.broadcast %broadcast_in_dim3A_227 : i32 to vector<16xi32>
      %gather3A_229 = tpu.vector_load_idx %arg11[%get3A_176, %broadcast_in_dim3A_228] : memref<400x32xf32, #tpu.memory_space<vmem>>[vector<16xi32>, vector<16xi32>], vector<16xf32>,
      %mul3A_230 = arith.mulf %get3A_184, %gather3A_229 : vector<16xf32>
      tpu.vector_store_idx %arg15[%get3A_180, %broadcast_in_dim3A_228], %mul3A_230 {add = true} : memref<400x32xf32, #tpu.memory_space<vmem>>[vector<16xi32>, vector<16xi32>], vector<16xf32>,
      %broadcast_in_dim3A_231 = arith.constant 12 : i32
      %broadcast_in_dim3A_232 = vector.broadcast %broadcast_in_dim3A_231 : i32 to vector<16xi32>
      %gather3A_233 = tpu.vector_load_idx %arg11[%get3A_176, %broadcast_in_dim3A_232] : memref<400x32xf32, #tpu.memory_space<vmem>>[vector<16xi32>, vector<16xi32>], vector<16xf32>,
      %mul3A_234 = arith.mulf %get3A_184, %gather3A_233 : vector<16xf32>
      tpu.vector_store_idx %arg15[%get3A_180, %broadcast_in_dim3A_232], %mul3A_234 {add = true} : memref<400x32xf32, #tpu.memory_space<vmem>>[vector<16xi32>, vector<16xi32>], vector<16xf32>,
      %broadcast_in_dim3A_235 = arith.constant 13 : i32
      %broadcast_in_dim3A_236 = vector.broadcast %broadcast_in_dim3A_235 : i32 to vector<16xi32>
      %gather3A_237 = tpu.vector_load_idx %arg11[%get3A_176, %broadcast_in_dim3A_236] : memref<400x32xf32, #tpu.memory_space<vmem>>[vector<16xi32>, vector<16xi32>], vector<16xf32>,
      %mul3A_238 = arith.mulf %get3A_184, %gather3A_237 : vector<16xf32>
      tpu.vector_store_idx %arg15[%get3A_180, %broadcast_in_dim3A_236], %mul3A_238 {add = true} : memref<400x32xf32, #tpu.memory_space<vmem>>[vector<16xi32>, vector<16xi32>], vector<16xf32>,
      %broadcast_in_dim3A_239 = arith.constant 14 : i32
      %broadcast_in_dim3A_240 = vector.broadcast %broadcast_in_dim3A_239 : i32 to vector<16xi32>
      %gather3A_241 = tpu.vector_load_idx %arg11[%get3A_176, %broadcast_in_dim3A_240] : memref<400x32xf32, #tpu.memory_space<vmem>>[vector<16xi32>, vector<16xi32>], vector<16xf32>,
      %mul3A_242 = arith.mulf %get3A_184, %gather3A_241 : vector<16xf32>
      tpu.vector_store_idx %arg15[%get3A_180, %broadcast_in_dim3A_240], %mul3A_242 {add = true} : memref<400x32xf32, #tpu.memory_space<vmem>>[vector<16xi32>, vector<16xi32>], vector<16xf32>,
      %broadcast_in_dim3A_243 = arith.constant 15 : i32
      %broadcast_in_dim3A_244 = vector.broadcast %broadcast_in_dim3A_243 : i32 to vector<16xi32>
      %gather3A_245 = tpu.vector_load_idx %arg11[%get3A_176, %broadcast_in_dim3A_244] : memref<400x32xf32, #tpu.memory_space<vmem>>[vector<16xi32>, vector<16xi32>], vector<16xf32>,
      %mul3A_246 = arith.mulf %get3A_184, %gather3A_245 : vector<16xf32>
      tpu.vector_store_idx %arg15[%get3A_180, %broadcast_in_dim3A_244], %mul3A_246 {add = true} : memref<400x32xf32, #tpu.memory_space<vmem>>[vector<16xi32>, vector<16xi32>], vector<16xf32>,
      %broadcast_in_dim3A_247 = arith.constant 16 : i32
      %broadcast_in_dim3A_248 = vector.broadcast %broadcast_in_dim3A_247 : i32 to vector<16xi32>
      %gather3A_249 = tpu.vector_load_idx %arg11[%get3A_176, %broadcast_in_dim3A_248] : memref<400x32xf32, #tpu.memory_space<vmem>>[vector<16xi32>, vector<16xi32>], vector<16xf32>,
      %mul3A_250 = arith.mulf %get3A_184, %gather3A_249 : vector<16xf32>
      tpu.vector_store_idx %arg15[%get3A_180, %broadcast_in_dim3A_248], %mul3A_250 {add = true} : memref<400x32xf32, #tpu.memory_space<vmem>>[vector<16xi32>, vector<16xi32>], vector<16xf32>,
      %broadcast_in_dim3A_251 = arith.constant 17 : i32
      %broadcast_in_dim3A_252 = vector.broadcast %broadcast_in_dim3A_251 : i32 to vector<16xi32>
      %gather3A_253 = tpu.vector_load_idx %arg11[%get3A_176, %broadcast_in_dim3A_252] : memref<400x32xf32, #tpu.memory_space<vmem>>[vector<16xi32>, vector<16xi32>], vector<16xf32>,
      %mul3A_254 = arith.mulf %get3A_184, %gather3A_253 : vector<16xf32>
      tpu.vector_store_idx %arg15[%get3A_180, %broadcast_in_dim3A_252], %mul3A_254 {add = true} : memref<400x32xf32, #tpu.memory_space<vmem>>[vector<16xi32>, vector<16xi32>], vector<16xf32>,
      %broadcast_in_dim3A_255 = arith.constant 18 : i32
      %broadcast_in_dim3A_256 = vector.broadcast %broadcast_in_dim3A_255 : i32 to vector<16xi32>
      %gather3A_257 = tpu.vector_load_idx %arg11[%get3A_176, %broadcast_in_dim3A_256] : memref<400x32xf32, #tpu.memory_space<vmem>>[vector<16xi32>, vector<16xi32>], vector<16xf32>,
      %mul3A_258 = arith.mulf %get3A_184, %gather3A_257 : vector<16xf32>
      tpu.vector_store_idx %arg15[%get3A_180, %broadcast_in_dim3A_256], %mul3A_258 {add = true} : memref<400x32xf32, #tpu.memory_space<vmem>>[vector<16xi32>, vector<16xi32>], vector<16xf32>,
      %broadcast_in_dim3A_259 = arith.constant 19 : i32
      %broadcast_in_dim3A_260 = vector.broadcast %broadcast_in_dim3A_259 : i32 to vector<16xi32>
      %gather3A_261 = tpu.vector_load_idx %arg11[%get3A_176, %broadcast_in_dim3A_260] : memref<400x32xf32, #tpu.memory_space<vmem>>[vector<16xi32>, vector<16xi32>], vector<16xf32>,
      %mul3A_262 = arith.mulf %get3A_184, %gather3A_261 : vector<16xf32>
      tpu.vector_store_idx %arg15[%get3A_180, %broadcast_in_dim3A_260], %mul3A_262 {add = true} : memref<400x32xf32, #tpu.memory_space<vmem>>[vector<16xi32>, vector<16xi32>], vector<16xf32>,
      %broadcast_in_dim3A_263 = arith.constant 20 : i32
      %broadcast_in_dim3A_264 = vector.broadcast %broadcast_in_dim3A_263 : i32 to vector<16xi32>
      %gather3A_265 = tpu.vector_load_idx %arg11[%get3A_176, %broadcast_in_dim3A_264] : memref<400x32xf32, #tpu.memory_space<vmem>>[vector<16xi32>, vector<16xi32>], vector<16xf32>,
      %mul3A_266 = arith.mulf %get3A_184, %gather3A_265 : vector<16xf32>
      tpu.vector_store_idx %arg15[%get3A_180, %broadcast_in_dim3A_264], %mul3A_266 {add = true} : memref<400x32xf32, #tpu.memory_space<vmem>>[vector<16xi32>, vector<16xi32>], vector<16xf32>,
      %broadcast_in_dim3A_267 = arith.constant 21 : i32
      %broadcast_in_dim3A_268 = vector.broadcast %broadcast_in_dim3A_267 : i32 to vector<16xi32>
      %gather3A_269 = tpu.vector_load_idx %arg11[%get3A_176, %broadcast_in_dim3A_268] : memref<400x32xf32, #tpu.memory_space<vmem>>[vector<16xi32>, vector<16xi32>], vector<16xf32>,
      %mul3A_270 = arith.mulf %get3A_184, %gather3A_269 : vector<16xf32>
      tpu.vector_store_idx %arg15[%get3A_180, %broadcast_in_dim3A_268], %mul3A_270 {add = true} : memref<400x32xf32, #tpu.memory_space<vmem>>[vector<16xi32>, vector<16xi32>], vector<16xf32>,
      %broadcast_in_dim3A_271 = arith.constant 22 : i32
      %broadcast_in_dim3A_272 = vector.broadcast %broadcast_in_dim3A_271 : i32 to vector<16xi32>
      %gather3A_273 = tpu.vector_load_idx %arg11[%get3A_176, %broadcast_in_dim3A_272] : memref<400x32xf32, #tpu.memory_space<vmem>>[vector<16xi32>, vector<16xi32>], vector<16xf32>,
      %mul3A_274 = arith.mulf %get3A_184, %gather3A_273 : vector<16xf32>
      tpu.vector_store_idx %arg15[%get3A_180, %broadcast_in_dim3A_272], %mul3A_274 {add = true} : memref<400x32xf32, #tpu.memory_space<vmem>>[vector<16xi32>, vector<16xi32>], vector<16xf32>,
      %broadcast_in_dim3A_275 = arith.constant 23 : i32
      %broadcast_in_dim3A_276 = vector.broadcast %broadcast_in_dim3A_275 : i32 to vector<16xi32>
      %gather3A_277 = tpu.vector_load_idx %arg11[%get3A_176, %broadcast_in_dim3A_276] : memref<400x32xf32, #tpu.memory_space<vmem>>[vector<16xi32>, vector<16xi32>], vector<16xf32>,
      %mul3A_278 = arith.mulf %get3A_184, %gather3A_277 : vector<16xf32>
      tpu.vector_store_idx %arg15[%get3A_180, %broadcast_in_dim3A_276], %mul3A_278 {add = true} : memref<400x32xf32, #tpu.memory_space<vmem>>[vector<16xi32>, vector<16xi32>], vector<16xf32>,
      %broadcast_in_dim3A_279 = arith.constant 24 : i32
      %broadcast_in_dim3A_280 = vector.broadcast %broadcast_in_dim3A_279 : i32 to vector<16xi32>
      %gather3A_281 = tpu.vector_load_idx %arg11[%get3A_176, %broadcast_in_dim3A_280] : memref<400x32xf32, #tpu.memory_space<vmem>>[vector<16xi32>, vector<16xi32>], vector<16xf32>,
      %mul3A_282 = arith.mulf %get3A_184, %gather3A_281 : vector<16xf32>
      tpu.vector_store_idx %arg15[%get3A_180, %broadcast_in_dim3A_280], %mul3A_282 {add = true} : memref<400x32xf32, #tpu.memory_space<vmem>>[vector<16xi32>, vector<16xi32>], vector<16xf32>,
      %broadcast_in_dim3A_283 = arith.constant 25 : i32
      %broadcast_in_dim3A_284 = vector.broadcast %broadcast_in_dim3A_283 : i32 to vector<16xi32>
      %gather3A_285 = tpu.vector_load_idx %arg11[%get3A_176, %broadcast_in_dim3A_284] : memref<400x32xf32, #tpu.memory_space<vmem>>[vector<16xi32>, vector<16xi32>], vector<16xf32>,
      %mul3A_286 = arith.mulf %get3A_184, %gather3A_285 : vector<16xf32>
      tpu.vector_store_idx %arg15[%get3A_180, %broadcast_in_dim3A_284], %mul3A_286 {add = true} : memref<400x32xf32, #tpu.memory_space<vmem>>[vector<16xi32>, vector<16xi32>], vector<16xf32>,
      %broadcast_in_dim3A_287 = arith.constant 26 : i32
      %broadcast_in_dim3A_288 = vector.broadcast %broadcast_in_dim3A_287 : i32 to vector<16xi32>
      %gather3A_289 = tpu.vector_load_idx %arg11[%get3A_176, %broadcast_in_dim3A_288] : memref<400x32xf32, #tpu.memory_space<vmem>>[vector<16xi32>, vector<16xi32>], vector<16xf32>,
      %mul3A_290 = arith.mulf %get3A_184, %gather3A_289 : vector<16xf32>
      tpu.vector_store_idx %arg15[%get3A_180, %broadcast_in_dim3A_288], %mul3A_290 {add = true} : memref<400x32xf32, #tpu.memory_space<vmem>>[vector<16xi32>, vector<16xi32>], vector<16xf32>,
      %broadcast_in_dim3A_291 = arith.constant 27 : i32
      %broadcast_in_dim3A_292 = vector.broadcast %broadcast_in_dim3A_291 : i32 to vector<16xi32>
      %gather3A_293 = tpu.vector_load_idx %arg11[%get3A_176, %broadcast_in_dim3A_292] : memref<400x32xf32, #tpu.memory_space<vmem>>[vector<16xi32>, vector<16xi32>], vector<16xf32>,
      %mul3A_294 = arith.mulf %get3A_184, %gather3A_293 : vector<16xf32>
      tpu.vector_store_idx %arg15[%get3A_180, %broadcast_in_dim3A_292], %mul3A_294 {add = true} : memref<400x32xf32, #tpu.memory_space<vmem>>[vector<16xi32>, vector<16xi32>], vector<16xf32>,
      %broadcast_in_dim3A_295 = arith.constant 28 : i32
      %broadcast_in_dim3A_296 = vector.broadcast %broadcast_in_dim3A_295 : i32 to vector<16xi32>
      %gather3A_297 = tpu.vector_load_idx %arg11[%get3A_176, %broadcast_in_dim3A_296] : memref<400x32xf32, #tpu.memory_space<vmem>>[vector<16xi32>, vector<16xi32>], vector<16xf32>,
      %mul3A_298 = arith.mulf %get3A_184, %gather3A_297 : vector<16xf32>
      tpu.vector_store_idx %arg15[%get3A_180, %broadcast_in_dim3A_296], %mul3A_298 {add = true} : memref<400x32xf32, #tpu.memory_space<vmem>>[vector<16xi32>, vector<16xi32>], vector<16xf32>,
      %broadcast_in_dim3A_299 = arith.constant 29 : i32
      %broadcast_in_dim3A_300 = vector.broadcast %broadcast_in_dim3A_299 : i32 to vector<16xi32>
      %gather3A_301 = tpu.vector_load_idx %arg11[%get3A_176, %broadcast_in_dim3A_300] : memref<400x32xf32, #tpu.memory_space<vmem>>[vector<16xi32>, vector<16xi32>], vector<16xf32>,
      %mul3A_302 = arith.mulf %get3A_184, %gather3A_301 : vector<16xf32>
      tpu.vector_store_idx %arg15[%get3A_180, %broadcast_in_dim3A_300], %mul3A_302 {add = true} : memref<400x32xf32, #tpu.memory_space<vmem>>[vector<16xi32>, vector<16xi32>], vector<16xf32>,
      %broadcast_in_dim3A_303 = arith.constant 30 : i32
      %broadcast_in_dim3A_304 = vector.broadcast %broadcast_in_dim3A_303 : i32 to vector<16xi32>
      %gather3A_305 = tpu.vector_load_idx %arg11[%get3A_176, %broadcast_in_dim3A_304] : memref<400x32xf32, #tpu.memory_space<vmem>>[vector<16xi32>, vector<16xi32>], vector<16xf32>,
      %mul3A_306 = arith.mulf %get3A_184, %gather3A_305 : vector<16xf32>
      tpu.vector_store_idx %arg15[%get3A_180, %broadcast_in_dim3A_304], %mul3A_306 {add = true} : memref<400x32xf32, #tpu.memory_space<vmem>>[vector<16xi32>, vector<16xi32>], vector<16xf32>,
      %broadcast_in_dim3A_307 = arith.constant 31 : i32
      %broadcast_in_dim3A_308 = vector.broadcast %broadcast_in_dim3A_307 : i32 to vector<16xi32>
      %gather3A_309 = tpu.vector_load_idx %arg11[%get3A_176, %broadcast_in_dim3A_308] : memref<400x32xf32, #tpu.memory_space<vmem>>[vector<16xi32>, vector<16xi32>], vector<16xf32>,
      %mul3A_310 = arith.mulf %get3A_184, %gather3A_309 : vector<16xf32>
      tpu.vector_store_idx %arg15[%get3A_180, %broadcast_in_dim3A_308], %mul3A_310 {add = true} : memref<400x32xf32, #tpu.memory_space<vmem>>[vector<16xi32>, vector<16xi32>], vector<16xf32>,
    } else {
    }
    "tpu.region"() ({
      %run_scoped3A = tpu.sem_alloc : memref<!tpu.dma_semaphore, #tpu.memory_space<semaphore_mem>>
      %dma_start3A_174 = arith.constant 0 : i32
      %dma_start3A_175 = arith.constant 0 : i32
      %dma_start3A_176 = tpu.memref_slice %arg9[%add3A, %dma_start3A_174, %dma_start3A_175] : memref<32x400x32xf32, #tpu.memory_space<hbm>> -> memref<1x400x32xf32, #tpu.memory_space<hbm>>
      %dma_start3A_177 = tpu.memref_squeeze %dma_start3A_176 : memref<1x400x32xf32, #tpu.memory_space<hbm>> -> memref<400x32xf32, #tpu.memory_space<hbm>>
      %dma_start3A_178 = arith.constant 0 : i32
      %dma_start3A_179 = arith.constant 0 : i32
      %dma_start3A_180 = tpu.memref_slice %arg9[%add3A, %dma_start3A_178, %dma_start3A_179] : memref<32x400x32xf32, #tpu.memory_space<hbm>> -> memref<1x400x32xf32, #tpu.memory_space<hbm>>
      %dma_start3A_181 = tpu.memref_squeeze %dma_start3A_180 : memref<1x400x32xf32, #tpu.memory_space<hbm>> -> memref<400x32xf32, #tpu.memory_space<hbm>>
      tpu.enqueue_dma source(%arg15 : memref<400x32xf32, #tpu.memory_space<vmem>>) target(%dma_start3A_181 : memref<400x32xf32, #tpu.memory_space<hbm>>) target_semaphore(%run_scoped3A : memref<!tpu.dma_semaphore, #tpu.memory_space<semaphore_mem>>)
      %dma_wait3A_182 = arith.constant 0 : i32
      %dma_wait3A_183 = arith.constant 0 : i32
      %dma_wait3A_184 = tpu.memref_slice %arg9[%add3A, %dma_wait3A_182, %dma_wait3A_183] : memref<32x400x32xf32, #tpu.memory_space<hbm>> -> memref<1x400x32xf32, #tpu.memory_space<hbm>>
      %dma_wait3A_185 = tpu.memref_squeeze %dma_wait3A_184 : memref<1x400x32xf32, #tpu.memory_space<hbm>> -> memref<400x32xf32, #tpu.memory_space<hbm>>
      %dma_wait3A_186 = arith.constant 0 : i32
      %dma_wait3A_187 = arith.constant 0 : i32
      %dma_wait3A_188 = tpu.memref_slice %arg9[%add3A, %dma_wait3A_186, %dma_wait3A_187] : memref<32x400x32xf32, #tpu.memory_space<hbm>> -> memref<1x400x32xf32, #tpu.memory_space<hbm>>
      %dma_wait3A_189 = tpu.memref_squeeze %dma_wait3A_188 : memref<1x400x32xf32, #tpu.memory_space<hbm>> -> memref<400x32xf32, #tpu.memory_space<hbm>>
      tpu.wait_dma2 semaphore(%run_scoped3A : memref<!tpu.dma_semaphore, #tpu.memory_space<semaphore_mem>>) src(%arg15 : memref<400x32xf32, #tpu.memory_space<vmem>>) dst(%dma_wait3A_189 : memref<400x32xf32, #tpu.memory_space<hbm>>)
      tpu.yield
    }) : () -> ()
    %eq3A = arith.constant 0 : i32
    %eq3A_170 = arith.cmpi eq, %add3A, %eq3A : i32
    %convert_element_type3A_171 = arith.extui %eq3A_170 : i1 to i32
    %cond3A_172 = arith.constant 0 : i32
    %cond3A_173 = arith.cmpi ne, %convert_element_type3A_171, %cond3A_172 : i32
    scf.if %cond3A_173 {
      "tpu.region"() ({
        %run_scoped3A = tpu.sem_alloc : memref<!tpu.dma_semaphore, #tpu.memory_space<semaphore_mem>>
        tpu.enqueue_dma source(%arg11 : memref<400x32xf32, #tpu.memory_space<vmem>>) target(%arg8 : memref<400x32xf32, #tpu.memory_space<hbm>>) target_semaphore(%run_scoped3A : memref<!tpu.dma_semaphore, #tpu.memory_space<semaphore_mem>>)
        tpu.wait_dma2 semaphore(%run_scoped3A : memref<!tpu.dma_semaphore, #tpu.memory_space<semaphore_mem>>) src(%arg11 : memref<400x32xf32, #tpu.memory_space<vmem>>) dst(%arg8 : memref<400x32xf32, #tpu.memory_space<hbm>>)
        tpu.yield
      }) : () -> ()
    } else {
    }
    return
  }
}

module attributes {stable_mosaic.version = 14 : i64} {
  func.func @_pre_body(%arg0: memref<400x32xf32, #tpu.memory_space<vmem>>, %arg1: memref<32x400x32xf32, #tpu.memory_space<vmem>>, %arg2: memref<32x32xf32, #tpu.memory_space<vmem>>, %arg3: memref<32x96xf32, #tpu.memory_space<vmem>>, %arg4: memref<32x96xf32, #tpu.memory_space<vmem>>, %arg5: memref<1x96xf32, #tpu.memory_space<vmem>>, %arg6: memref<1x96xf32, #tpu.memory_space<vmem>>, %arg7: memref<32x32xf32, #tpu.memory_space<vmem>>, %arg8: memref<1x32xf32, #tpu.memory_space<vmem>>, %arg9: memref<32x32xf32, #tpu.memory_space<vmem>>, %arg10: memref<1x32xf32, #tpu.memory_space<vmem>>, %arg11: memref<32x32xf32, #tpu.memory_space<vmem>>, %arg12: memref<1x32xf32, #tpu.memory_space<vmem>>, %arg13: memref<32x1xf32, #tpu.memory_space<vmem>>, %arg14: memref<1x1xf32, #tpu.memory_space<vmem>>, %arg15: memref<64x32xf32, #tpu.memory_space<vmem>>, %arg16: memref<1x32xf32, #tpu.memory_space<vmem>>, %arg17: memref<904x32xf32, #tpu.memory_space<vmem>>) attributes {dimension_semantics = [], scalar_prefetch = 0 : i64, scratch_operands = 0 : i64, tpu.core_type = #tpu.core_type<tc>} {
    %get3A = arith.constant 0 : index
    %get3A_0 = arith.constant 0 : index
    %get3A_1 = vector.load %arg0[%get3A, %get3A_0] : memref<400x32xf32, #tpu.memory_space<vmem>>, vector<400x32xf32>
    %get3A_2 = arith.constant 0 : index
    %get3A_3 = arith.constant 0 : index
    %get3A_4 = arith.constant 0 : index
    %get3A_5 = vector.load %arg1[%get3A_2, %get3A_3, %get3A_4] : memref<32x400x32xf32, #tpu.memory_space<vmem>>, vector<1x400x32xf32>
    %get3A_6 = vector.shape_cast %get3A_5 : vector<1x400x32xf32> to vector<400x32xf32>
    %get3A_7 = arith.constant 1 : index
    %get3A_8 = arith.constant 0 : index
    %get3A_9 = arith.constant 0 : index
    %get3A_10 = vector.load %arg1[%get3A_7, %get3A_8, %get3A_9] : memref<32x400x32xf32, #tpu.memory_space<vmem>>, vector<1x400x32xf32>
    %get3A_11 = vector.shape_cast %get3A_10 : vector<1x400x32xf32> to vector<400x32xf32>
    %add3A = arith.addf %get3A_6, %get3A_11 : vector<400x32xf32>
    %get3A_12 = arith.constant 2 : index
    %get3A_13 = arith.constant 0 : index
    %get3A_14 = arith.constant 0 : index
    %get3A_15 = vector.load %arg1[%get3A_12, %get3A_13, %get3A_14] : memref<32x400x32xf32, #tpu.memory_space<vmem>>, vector<1x400x32xf32>
    %get3A_16 = vector.shape_cast %get3A_15 : vector<1x400x32xf32> to vector<400x32xf32>
    %add3A_17 = arith.addf %add3A, %get3A_16 : vector<400x32xf32>
    %get3A_18 = arith.constant 3 : index
    %get3A_19 = arith.constant 0 : index
    %get3A_20 = arith.constant 0 : index
    %get3A_21 = vector.load %arg1[%get3A_18, %get3A_19, %get3A_20] : memref<32x400x32xf32, #tpu.memory_space<vmem>>, vector<1x400x32xf32>
    %get3A_22 = vector.shape_cast %get3A_21 : vector<1x400x32xf32> to vector<400x32xf32>
    %add3A_23 = arith.addf %add3A_17, %get3A_22 : vector<400x32xf32>
    %get3A_24 = arith.constant 4 : index
    %get3A_25 = arith.constant 0 : index
    %get3A_26 = arith.constant 0 : index
    %get3A_27 = vector.load %arg1[%get3A_24, %get3A_25, %get3A_26] : memref<32x400x32xf32, #tpu.memory_space<vmem>>, vector<1x400x32xf32>
    %get3A_28 = vector.shape_cast %get3A_27 : vector<1x400x32xf32> to vector<400x32xf32>
    %add3A_29 = arith.addf %add3A_23, %get3A_28 : vector<400x32xf32>
    %get3A_30 = arith.constant 5 : index
    %get3A_31 = arith.constant 0 : index
    %get3A_32 = arith.constant 0 : index
    %get3A_33 = vector.load %arg1[%get3A_30, %get3A_31, %get3A_32] : memref<32x400x32xf32, #tpu.memory_space<vmem>>, vector<1x400x32xf32>
    %get3A_34 = vector.shape_cast %get3A_33 : vector<1x400x32xf32> to vector<400x32xf32>
    %add3A_35 = arith.addf %add3A_29, %get3A_34 : vector<400x32xf32>
    %get3A_36 = arith.constant 6 : index
    %get3A_37 = arith.constant 0 : index
    %get3A_38 = arith.constant 0 : index
    %get3A_39 = vector.load %arg1[%get3A_36, %get3A_37, %get3A_38] : memref<32x400x32xf32, #tpu.memory_space<vmem>>, vector<1x400x32xf32>
    %get3A_40 = vector.shape_cast %get3A_39 : vector<1x400x32xf32> to vector<400x32xf32>
    %add3A_41 = arith.addf %add3A_35, %get3A_40 : vector<400x32xf32>
    %get3A_42 = arith.constant 7 : index
    %get3A_43 = arith.constant 0 : index
    %get3A_44 = arith.constant 0 : index
    %get3A_45 = vector.load %arg1[%get3A_42, %get3A_43, %get3A_44] : memref<32x400x32xf32, #tpu.memory_space<vmem>>, vector<1x400x32xf32>
    %get3A_46 = vector.shape_cast %get3A_45 : vector<1x400x32xf32> to vector<400x32xf32>
    %add3A_47 = arith.addf %add3A_41, %get3A_46 : vector<400x32xf32>
    %get3A_48 = arith.constant 8 : index
    %get3A_49 = arith.constant 0 : index
    %get3A_50 = arith.constant 0 : index
    %get3A_51 = vector.load %arg1[%get3A_48, %get3A_49, %get3A_50] : memref<32x400x32xf32, #tpu.memory_space<vmem>>, vector<1x400x32xf32>
    %get3A_52 = vector.shape_cast %get3A_51 : vector<1x400x32xf32> to vector<400x32xf32>
    %add3A_53 = arith.addf %add3A_47, %get3A_52 : vector<400x32xf32>
    %get3A_54 = arith.constant 9 : index
    %get3A_55 = arith.constant 0 : index
    %get3A_56 = arith.constant 0 : index
    %get3A_57 = vector.load %arg1[%get3A_54, %get3A_55, %get3A_56] : memref<32x400x32xf32, #tpu.memory_space<vmem>>, vector<1x400x32xf32>
    %get3A_58 = vector.shape_cast %get3A_57 : vector<1x400x32xf32> to vector<400x32xf32>
    %add3A_59 = arith.addf %add3A_53, %get3A_58 : vector<400x32xf32>
    %get3A_60 = arith.constant 10 : index
    %get3A_61 = arith.constant 0 : index
    %get3A_62 = arith.constant 0 : index
    %get3A_63 = vector.load %arg1[%get3A_60, %get3A_61, %get3A_62] : memref<32x400x32xf32, #tpu.memory_space<vmem>>, vector<1x400x32xf32>
    %get3A_64 = vector.shape_cast %get3A_63 : vector<1x400x32xf32> to vector<400x32xf32>
    %add3A_65 = arith.addf %add3A_59, %get3A_64 : vector<400x32xf32>
    %get3A_66 = arith.constant 11 : index
    %get3A_67 = arith.constant 0 : index
    %get3A_68 = arith.constant 0 : index
    %get3A_69 = vector.load %arg1[%get3A_66, %get3A_67, %get3A_68] : memref<32x400x32xf32, #tpu.memory_space<vmem>>, vector<1x400x32xf32>
    %get3A_70 = vector.shape_cast %get3A_69 : vector<1x400x32xf32> to vector<400x32xf32>
    %add3A_71 = arith.addf %add3A_65, %get3A_70 : vector<400x32xf32>
    %get3A_72 = arith.constant 12 : index
    %get3A_73 = arith.constant 0 : index
    %get3A_74 = arith.constant 0 : index
    %get3A_75 = vector.load %arg1[%get3A_72, %get3A_73, %get3A_74] : memref<32x400x32xf32, #tpu.memory_space<vmem>>, vector<1x400x32xf32>
    %get3A_76 = vector.shape_cast %get3A_75 : vector<1x400x32xf32> to vector<400x32xf32>
    %add3A_77 = arith.addf %add3A_71, %get3A_76 : vector<400x32xf32>
    %get3A_78 = arith.constant 13 : index
    %get3A_79 = arith.constant 0 : index
    %get3A_80 = arith.constant 0 : index
    %get3A_81 = vector.load %arg1[%get3A_78, %get3A_79, %get3A_80] : memref<32x400x32xf32, #tpu.memory_space<vmem>>, vector<1x400x32xf32>
    %get3A_82 = vector.shape_cast %get3A_81 : vector<1x400x32xf32> to vector<400x32xf32>
    %add3A_83 = arith.addf %add3A_77, %get3A_82 : vector<400x32xf32>
    %get3A_84 = arith.constant 14 : index
    %get3A_85 = arith.constant 0 : index
    %get3A_86 = arith.constant 0 : index
    %get3A_87 = vector.load %arg1[%get3A_84, %get3A_85, %get3A_86] : memref<32x400x32xf32, #tpu.memory_space<vmem>>, vector<1x400x32xf32>
    %get3A_88 = vector.shape_cast %get3A_87 : vector<1x400x32xf32> to vector<400x32xf32>
    %add3A_89 = arith.addf %add3A_83, %get3A_88 : vector<400x32xf32>
    %get3A_90 = arith.constant 15 : index
    %get3A_91 = arith.constant 0 : index
    %get3A_92 = arith.constant 0 : index
    %get3A_93 = vector.load %arg1[%get3A_90, %get3A_91, %get3A_92] : memref<32x400x32xf32, #tpu.memory_space<vmem>>, vector<1x400x32xf32>
    %get3A_94 = vector.shape_cast %get3A_93 : vector<1x400x32xf32> to vector<400x32xf32>
    %add3A_95 = arith.addf %add3A_89, %get3A_94 : vector<400x32xf32>
    %get3A_96 = arith.constant 16 : index
    %get3A_97 = arith.constant 0 : index
    %get3A_98 = arith.constant 0 : index
    %get3A_99 = vector.load %arg1[%get3A_96, %get3A_97, %get3A_98] : memref<32x400x32xf32, #tpu.memory_space<vmem>>, vector<1x400x32xf32>
    %get3A_100 = vector.shape_cast %get3A_99 : vector<1x400x32xf32> to vector<400x32xf32>
    %add3A_101 = arith.addf %add3A_95, %get3A_100 : vector<400x32xf32>
    %get3A_102 = arith.constant 17 : index
    %get3A_103 = arith.constant 0 : index
    %get3A_104 = arith.constant 0 : index
    %get3A_105 = vector.load %arg1[%get3A_102, %get3A_103, %get3A_104] : memref<32x400x32xf32, #tpu.memory_space<vmem>>, vector<1x400x32xf32>
    %get3A_106 = vector.shape_cast %get3A_105 : vector<1x400x32xf32> to vector<400x32xf32>
    %add3A_107 = arith.addf %add3A_101, %get3A_106 : vector<400x32xf32>
    %get3A_108 = arith.constant 18 : index
    %get3A_109 = arith.constant 0 : index
    %get3A_110 = arith.constant 0 : index
    %get3A_111 = vector.load %arg1[%get3A_108, %get3A_109, %get3A_110] : memref<32x400x32xf32, #tpu.memory_space<vmem>>, vector<1x400x32xf32>
    %get3A_112 = vector.shape_cast %get3A_111 : vector<1x400x32xf32> to vector<400x32xf32>
    %add3A_113 = arith.addf %add3A_107, %get3A_112 : vector<400x32xf32>
    %get3A_114 = arith.constant 19 : index
    %get3A_115 = arith.constant 0 : index
    %get3A_116 = arith.constant 0 : index
    %get3A_117 = vector.load %arg1[%get3A_114, %get3A_115, %get3A_116] : memref<32x400x32xf32, #tpu.memory_space<vmem>>, vector<1x400x32xf32>
    %get3A_118 = vector.shape_cast %get3A_117 : vector<1x400x32xf32> to vector<400x32xf32>
    %add3A_119 = arith.addf %add3A_113, %get3A_118 : vector<400x32xf32>
    %get3A_120 = arith.constant 20 : index
    %get3A_121 = arith.constant 0 : index
    %get3A_122 = arith.constant 0 : index
    %get3A_123 = vector.load %arg1[%get3A_120, %get3A_121, %get3A_122] : memref<32x400x32xf32, #tpu.memory_space<vmem>>, vector<1x400x32xf32>
    %get3A_124 = vector.shape_cast %get3A_123 : vector<1x400x32xf32> to vector<400x32xf32>
    %add3A_125 = arith.addf %add3A_119, %get3A_124 : vector<400x32xf32>
    %get3A_126 = arith.constant 21 : index
    %get3A_127 = arith.constant 0 : index
    %get3A_128 = arith.constant 0 : index
    %get3A_129 = vector.load %arg1[%get3A_126, %get3A_127, %get3A_128] : memref<32x400x32xf32, #tpu.memory_space<vmem>>, vector<1x400x32xf32>
    %get3A_130 = vector.shape_cast %get3A_129 : vector<1x400x32xf32> to vector<400x32xf32>
    %add3A_131 = arith.addf %add3A_125, %get3A_130 : vector<400x32xf32>
    %get3A_132 = arith.constant 22 : index
    %get3A_133 = arith.constant 0 : index
    %get3A_134 = arith.constant 0 : index
    %get3A_135 = vector.load %arg1[%get3A_132, %get3A_133, %get3A_134] : memref<32x400x32xf32, #tpu.memory_space<vmem>>, vector<1x400x32xf32>
    %get3A_136 = vector.shape_cast %get3A_135 : vector<1x400x32xf32> to vector<400x32xf32>
    %add3A_137 = arith.addf %add3A_131, %get3A_136 : vector<400x32xf32>
    %get3A_138 = arith.constant 23 : index
    %get3A_139 = arith.constant 0 : index
    %get3A_140 = arith.constant 0 : index
    %get3A_141 = vector.load %arg1[%get3A_138, %get3A_139, %get3A_140] : memref<32x400x32xf32, #tpu.memory_space<vmem>>, vector<1x400x32xf32>
    %get3A_142 = vector.shape_cast %get3A_141 : vector<1x400x32xf32> to vector<400x32xf32>
    %add3A_143 = arith.addf %add3A_137, %get3A_142 : vector<400x32xf32>
    %get3A_144 = arith.constant 24 : index
    %get3A_145 = arith.constant 0 : index
    %get3A_146 = arith.constant 0 : index
    %get3A_147 = vector.load %arg1[%get3A_144, %get3A_145, %get3A_146] : memref<32x400x32xf32, #tpu.memory_space<vmem>>, vector<1x400x32xf32>
    %get3A_148 = vector.shape_cast %get3A_147 : vector<1x400x32xf32> to vector<400x32xf32>
    %add3A_149 = arith.addf %add3A_143, %get3A_148 : vector<400x32xf32>
    %get3A_150 = arith.constant 25 : index
    %get3A_151 = arith.constant 0 : index
    %get3A_152 = arith.constant 0 : index
    %get3A_153 = vector.load %arg1[%get3A_150, %get3A_151, %get3A_152] : memref<32x400x32xf32, #tpu.memory_space<vmem>>, vector<1x400x32xf32>
    %get3A_154 = vector.shape_cast %get3A_153 : vector<1x400x32xf32> to vector<400x32xf32>
    %add3A_155 = arith.addf %add3A_149, %get3A_154 : vector<400x32xf32>
    %get3A_156 = arith.constant 26 : index
    %get3A_157 = arith.constant 0 : index
    %get3A_158 = arith.constant 0 : index
    %get3A_159 = vector.load %arg1[%get3A_156, %get3A_157, %get3A_158] : memref<32x400x32xf32, #tpu.memory_space<vmem>>, vector<1x400x32xf32>
    %get3A_160 = vector.shape_cast %get3A_159 : vector<1x400x32xf32> to vector<400x32xf32>
    %add3A_161 = arith.addf %add3A_155, %get3A_160 : vector<400x32xf32>
    %get3A_162 = arith.constant 27 : index
    %get3A_163 = arith.constant 0 : index
    %get3A_164 = arith.constant 0 : index
    %get3A_165 = vector.load %arg1[%get3A_162, %get3A_163, %get3A_164] : memref<32x400x32xf32, #tpu.memory_space<vmem>>, vector<1x400x32xf32>
    %get3A_166 = vector.shape_cast %get3A_165 : vector<1x400x32xf32> to vector<400x32xf32>
    %add3A_167 = arith.addf %add3A_161, %get3A_166 : vector<400x32xf32>
    %get3A_168 = arith.constant 28 : index
    %get3A_169 = arith.constant 0 : index
    %get3A_170 = arith.constant 0 : index
    %get3A_171 = vector.load %arg1[%get3A_168, %get3A_169, %get3A_170] : memref<32x400x32xf32, #tpu.memory_space<vmem>>, vector<1x400x32xf32>
    %get3A_172 = vector.shape_cast %get3A_171 : vector<1x400x32xf32> to vector<400x32xf32>
    %add3A_173 = arith.addf %add3A_167, %get3A_172 : vector<400x32xf32>
    %get3A_174 = arith.constant 29 : index
    %get3A_175 = arith.constant 0 : index
    %get3A_176 = arith.constant 0 : index
    %get3A_177 = vector.load %arg1[%get3A_174, %get3A_175, %get3A_176] : memref<32x400x32xf32, #tpu.memory_space<vmem>>, vector<1x400x32xf32>
    %get3A_178 = vector.shape_cast %get3A_177 : vector<1x400x32xf32> to vector<400x32xf32>
    %add3A_179 = arith.addf %add3A_173, %get3A_178 : vector<400x32xf32>
    %get3A_180 = arith.constant 30 : index
    %get3A_181 = arith.constant 0 : index
    %get3A_182 = arith.constant 0 : index
    %get3A_183 = vector.load %arg1[%get3A_180, %get3A_181, %get3A_182] : memref<32x400x32xf32, #tpu.memory_space<vmem>>, vector<1x400x32xf32>
    %get3A_184 = vector.shape_cast %get3A_183 : vector<1x400x32xf32> to vector<400x32xf32>
    %add3A_185 = arith.addf %add3A_179, %get3A_184 : vector<400x32xf32>
    %get3A_186 = arith.constant 31 : index
    %get3A_187 = arith.constant 0 : index
    %get3A_188 = arith.constant 0 : index
    %get3A_189 = vector.load %arg1[%get3A_186, %get3A_187, %get3A_188] : memref<32x400x32xf32, #tpu.memory_space<vmem>>, vector<1x400x32xf32>
    %get3A_190 = vector.shape_cast %get3A_189 : vector<1x400x32xf32> to vector<400x32xf32>
    %add3A_191 = arith.addf %add3A_185, %get3A_190 : vector<400x32xf32>
    %get3A_192 = arith.constant 0 : index
    %get3A_193 = arith.constant 0 : index
    %get3A_194 = vector.load %arg2[%get3A_192, %get3A_193] : memref<32x32xf32, #tpu.memory_space<vmem>>, vector<32x32xf32>
    %dot_general3A = arith.constant dense<0.000000e+00> : vector<400x32xf32>
    %dot_general3A_195 = tpu.matmul %add3A_191, %get3A_194, %dot_general3A {dimension_numbers = #tpu.dot_dimension_numbers<[1], [0], [0], [1], [0, 0, 1, 1], [], []>, transpose_lhs_hint = false} : vector<400x32xf32>, vector<32x32xf32>, vector<400x32xf32> -> vector<400x32xf32>
    %get3A_196 = arith.constant 0 : index
    %get3A_197 = arith.constant 0 : index
    %get3A_198 = vector.load %arg3[%get3A_196, %get3A_197] : memref<32x96xf32, #tpu.memory_space<vmem>>, vector<32x96xf32>
    %dot_general3A_199 = arith.constant dense<0.000000e+00> : vector<400x96xf32>
    %dot_general3A_200 = tpu.matmul %dot_general3A_195, %get3A_198, %dot_general3A_199 {dimension_numbers = #tpu.dot_dimension_numbers<[1], [0], [0], [1], [0, 0, 1, 1], [], []>, transpose_lhs_hint = false} : vector<400x32xf32>, vector<32x96xf32>, vector<400x96xf32> -> vector<400x96xf32>
    %get3A_201 = arith.constant 0 : index
    %get3A_202 = arith.constant 0 : index
    %get3A_203 = vector.load %arg5[%get3A_201, %get3A_202] : memref<1x96xf32, #tpu.memory_space<vmem>>, vector<1x96xf32>
    %add3A_204 = vector.broadcast %get3A_203 : vector<1x96xf32> to vector<400x96xf32>
    %add3A_205 = arith.addf %dot_general3A_200, %add3A_204 : vector<400x96xf32>
    %get3A_206 = arith.constant 0 : index
    %get3A_207 = arith.constant 0 : index
    %get3A_208 = vector.load %arg4[%get3A_206, %get3A_207] : memref<32x96xf32, #tpu.memory_space<vmem>>, vector<32x96xf32>
    %dot_general3A_209 = arith.constant dense<0.000000e+00> : vector<400x96xf32>
    %dot_general3A_210 = tpu.matmul %get3A_1, %get3A_208, %dot_general3A_209 {dimension_numbers = #tpu.dot_dimension_numbers<[1], [0], [0], [1], [0, 0, 1, 1], [], []>, transpose_lhs_hint = false} : vector<400x32xf32>, vector<32x96xf32>, vector<400x96xf32> -> vector<400x96xf32>
    %get3A_211 = arith.constant 0 : index
    %get3A_212 = arith.constant 0 : index
    %get3A_213 = vector.load %arg6[%get3A_211, %get3A_212] : memref<1x96xf32, #tpu.memory_space<vmem>>, vector<1x96xf32>
    %add3A_214 = vector.broadcast %get3A_213 : vector<1x96xf32> to vector<400x96xf32>
    %add3A_215 = arith.addf %dot_general3A_210, %add3A_214 : vector<400x96xf32>
    %slice3A = vector.extract_strided_slice %add3A_205 {offsets = [0, 0], sizes = [400, 32], strides = [1, 1]} : vector<400x96xf32> to vector<400x32xf32>
    %slice3A_216 = vector.extract_strided_slice %add3A_215 {offsets = [0, 0], sizes = [400, 32], strides = [1, 1]} : vector<400x96xf32> to vector<400x32xf32>
    %add3A_217 = arith.addf %slice3A, %slice3A_216 : vector<400x32xf32>
    %logistic3A = arith.negf %add3A_217 : vector<400x32xf32>
    %logistic3A_218 = math.exp %logistic3A : vector<400x32xf32>
    %logistic3A_219 = arith.constant 1.000000e+00 : f32
    %logistic3A_220 = vector.broadcast %logistic3A_219 : f32 to vector<400x32xf32>
    %logistic3A_221 = arith.addf %logistic3A_220, %logistic3A_218 : vector<400x32xf32>
    %logistic3A_222 = arith.divf %logistic3A_220, %logistic3A_221 : vector<400x32xf32>
    %slice3A_223 = vector.extract_strided_slice %add3A_205 {offsets = [0, 32], sizes = [400, 32], strides = [1, 1]} : vector<400x96xf32> to vector<400x32xf32>
    %slice3A_224 = vector.extract_strided_slice %add3A_215 {offsets = [0, 32], sizes = [400, 32], strides = [1, 1]} : vector<400x96xf32> to vector<400x32xf32>
    %add3A_225 = arith.addf %slice3A_223, %slice3A_224 : vector<400x32xf32>
    %logistic3A_226 = arith.negf %add3A_225 : vector<400x32xf32>
    %logistic3A_227 = math.exp %logistic3A_226 : vector<400x32xf32>
    %logistic3A_228 = arith.constant 1.000000e+00 : f32
    %logistic3A_229 = vector.broadcast %logistic3A_228 : f32 to vector<400x32xf32>
    %logistic3A_230 = arith.addf %logistic3A_229, %logistic3A_227 : vector<400x32xf32>
    %logistic3A_231 = arith.divf %logistic3A_229, %logistic3A_230 : vector<400x32xf32>
    %slice3A_232 = vector.extract_strided_slice %add3A_205 {offsets = [0, 64], sizes = [400, 32], strides = [1, 1]} : vector<400x96xf32> to vector<400x32xf32>
    %slice3A_233 = vector.extract_strided_slice %add3A_215 {offsets = [0, 64], sizes = [400, 32], strides = [1, 1]} : vector<400x96xf32> to vector<400x32xf32>
    %mul3A = arith.mulf %logistic3A_222, %slice3A_233 : vector<400x32xf32>
    %add3A_234 = arith.addf %slice3A_232, %mul3A : vector<400x32xf32>
    %tanh3A = math.tanh %add3A_234 : vector<400x32xf32>
    %sub3A = arith.constant 1.000000e+00 : f32
    %sub3A_235 = vector.broadcast %sub3A : f32 to vector<400x32xf32>
    %sub3A_236 = arith.subf %sub3A_235, %logistic3A_231 : vector<400x32xf32>
    %mul3A_237 = arith.mulf %sub3A_236, %tanh3A : vector<400x32xf32>
    %mul3A_238 = arith.mulf %logistic3A_231, %get3A_1 : vector<400x32xf32>
    %add3A_239 = arith.addf %mul3A_237, %mul3A_238 : vector<400x32xf32>
    %iota3A = tpu.iota {dimensions = array<i32: 0>} : vector<8x400xi32>
    %iota3A_240 = tpu.iota {dimensions = array<i32: 1>} : vector<8x400xi32>
    %mul3A_241 = arith.constant 50 : i32
    %mul3A_242 = vector.broadcast %mul3A_241 : i32 to vector<8x400xi32>
    %mul3A_243 = arith.muli %iota3A, %mul3A_242 : vector<8x400xi32>
    %add3A_244 = arith.constant 49 : i32
    %add3A_245 = vector.broadcast %add3A_244 : i32 to vector<8x400xi32>
    %add3A_246 = arith.addi %mul3A_243, %add3A_245 : vector<8x400xi32>
    %eq3A = arith.cmpi eq, %iota3A_240, %add3A_246 : vector<8x400xi32>
    %convert_element_type3A = arith.extui %eq3A : vector<8x400xi1> to vector<8x400xi32>
    %convert_element_type3A_247 = arith.sitofp %convert_element_type3A : vector<8x400xi32> to vector<8x400xf32>
    %jit3A = arith.constant 50 : i32
    %div3A = vector.broadcast %jit3A : i32 to vector<8x400xi32>
    %div3A_248 = arith.divsi %iota3A_240, %div3A : vector<8x400xi32>
    %sign3A = arith.constant 0 : i32
    %sign3A_249 = vector.broadcast %sign3A : i32 to vector<8x400xi32>
    %sign3A_250 = arith.cmpi sgt, %iota3A_240, %sign3A_249 : vector<8x400xi32>
    %sign3A_251 = arith.extui %sign3A_250 : vector<8x400xi1> to vector<8x400xi32>
    %sign3A_252 = arith.constant 0 : i32
    %sign3A_253 = vector.broadcast %sign3A_252 : i32 to vector<8x400xi32>
    %sign3A_254 = arith.cmpi slt, %iota3A_240, %sign3A_253 : vector<8x400xi32>
    %sign3A_255 = arith.extui %sign3A_254 : vector<8x400xi1> to vector<8x400xi32>
    %sign3A_256 = arith.subi %sign3A_251, %sign3A_255 : vector<8x400xi32>
    %sign3A_257 = arith.constant 0 : i32
    %sign3A_258 = arith.cmpi sgt, %jit3A, %sign3A_257 : i32
    %sign3A_259 = arith.extui %sign3A_258 : i1 to i32
    %sign3A_260 = arith.constant 0 : i32
    %sign3A_261 = arith.cmpi slt, %jit3A, %sign3A_260 : i32
    %sign3A_262 = arith.extui %sign3A_261 : i1 to i32
    %sign3A_263 = arith.subi %sign3A_259, %sign3A_262 : i32
    %ne3A = vector.broadcast %sign3A_263 : i32 to vector<8x400xi32>
    %ne3A_264 = arith.cmpi ne, %sign3A_256, %ne3A : vector<8x400xi32>
    %rem3A = vector.broadcast %jit3A : i32 to vector<8x400xi32>
    %rem3A_265 = arith.remsi %iota3A_240, %rem3A : vector<8x400xi32>
    %ne3A_266 = arith.constant 0 : i32
    %ne3A_267 = vector.broadcast %ne3A_266 : i32 to vector<8x400xi32>
    %ne3A_268 = arith.cmpi ne, %rem3A_265, %ne3A_267 : vector<8x400xi32>
    %and3A = arith.andi %ne3A_264, %ne3A_268 : vector<8x400xi1>
    %sub3A_269 = arith.constant 1 : i32
    %sub3A_270 = vector.broadcast %sub3A_269 : i32 to vector<8x400xi32>
    %sub3A_271 = arith.subi %div3A_248, %sub3A_270 : vector<8x400xi32>
    %select_n3A = arith.select %and3A, %sub3A_271, %div3A_248 : vector<8x400xi1>, vector<8x400xi32>
    %eq3A_272 = arith.cmpi eq, %select_n3A, %iota3A : vector<8x400xi32>
    %convert_element_type3A_273 = arith.extui %eq3A_272 : vector<8x400xi1> to vector<8x400xi32>
    %convert_element_type3A_274 = arith.sitofp %convert_element_type3A_273 : vector<8x400xi32> to vector<8x400xf32>
    %iota3A_275 = tpu.iota {dimensions = array<i32: 0>} : vector<400x8xi32>
    %iota3A_276 = tpu.iota {dimensions = array<i32: 1>} : vector<400x8xi32>
    %jit3A_277 = arith.constant 50 : i32
    %div3A_278 = vector.broadcast %jit3A_277 : i32 to vector<400x8xi32>
    %div3A_279 = arith.divsi %iota3A_275, %div3A_278 : vector<400x8xi32>
    %sign3A_280 = arith.constant 0 : i32
    %sign3A_281 = vector.broadcast %sign3A_280 : i32 to vector<400x8xi32>
    %sign3A_282 = arith.cmpi sgt, %iota3A_275, %sign3A_281 : vector<400x8xi32>
    %sign3A_283 = arith.extui %sign3A_282 : vector<400x8xi1> to vector<400x8xi32>
    %sign3A_284 = arith.constant 0 : i32
    %sign3A_285 = vector.broadcast %sign3A_284 : i32 to vector<400x8xi32>
    %sign3A_286 = arith.cmpi slt, %iota3A_275, %sign3A_285 : vector<400x8xi32>
    %sign3A_287 = arith.extui %sign3A_286 : vector<400x8xi1> to vector<400x8xi32>
    %sign3A_288 = arith.subi %sign3A_283, %sign3A_287 : vector<400x8xi32>
    %sign3A_289 = arith.constant 0 : i32
    %sign3A_290 = arith.cmpi sgt, %jit3A_277, %sign3A_289 : i32
    %sign3A_291 = arith.extui %sign3A_290 : i1 to i32
    %sign3A_292 = arith.constant 0 : i32
    %sign3A_293 = arith.cmpi slt, %jit3A_277, %sign3A_292 : i32
    %sign3A_294 = arith.extui %sign3A_293 : i1 to i32
    %sign3A_295 = arith.subi %sign3A_291, %sign3A_294 : i32
    %ne3A_296 = vector.broadcast %sign3A_295 : i32 to vector<400x8xi32>
    %ne3A_297 = arith.cmpi ne, %sign3A_288, %ne3A_296 : vector<400x8xi32>
    %rem3A_298 = vector.broadcast %jit3A_277 : i32 to vector<400x8xi32>
    %rem3A_299 = arith.remsi %iota3A_275, %rem3A_298 : vector<400x8xi32>
    %ne3A_300 = arith.constant 0 : i32
    %ne3A_301 = vector.broadcast %ne3A_300 : i32 to vector<400x8xi32>
    %ne3A_302 = arith.cmpi ne, %rem3A_299, %ne3A_301 : vector<400x8xi32>
    %and3A_303 = arith.andi %ne3A_297, %ne3A_302 : vector<400x8xi1>
    %sub3A_304 = arith.constant 1 : i32
    %sub3A_305 = vector.broadcast %sub3A_304 : i32 to vector<400x8xi32>
    %sub3A_306 = arith.subi %div3A_279, %sub3A_305 : vector<400x8xi32>
    %select_n3A_307 = arith.select %and3A_303, %sub3A_306, %div3A_279 : vector<400x8xi1>, vector<400x8xi32>
    %eq3A_308 = arith.cmpi eq, %select_n3A_307, %iota3A_276 : vector<400x8xi32>
    %convert_element_type3A_309 = arith.extui %eq3A_308 : vector<400x8xi1> to vector<400x8xi32>
    %convert_element_type3A_310 = arith.sitofp %convert_element_type3A_309 : vector<400x8xi32> to vector<400x8xf32>
    %dot_general3A_311 = arith.constant dense<0.000000e+00> : vector<8x32xf32>
    %dot_general3A_312 = tpu.matmul %convert_element_type3A_247, %add3A_239, %dot_general3A_311 {dimension_numbers = #tpu.dot_dimension_numbers<[1], [0], [0], [1], [0, 0, 1, 1], [], []>, transpose_lhs_hint = false} : vector<8x400xf32>, vector<400x32xf32>, vector<8x32xf32> -> vector<8x32xf32>
    %dot_general3A_313 = arith.constant dense<0.000000e+00> : vector<400x32xf32>
    %dot_general3A_314 = tpu.matmul %convert_element_type3A_310, %dot_general3A_312, %dot_general3A_313 {dimension_numbers = #tpu.dot_dimension_numbers<[1], [0], [0], [1], [0, 0, 1, 1], [], []>, transpose_lhs_hint = false} : vector<400x8xf32>, vector<8x32xf32>, vector<400x32xf32> -> vector<400x32xf32>
    %get3A_315 = arith.constant 0 : index
    %get3A_316 = arith.constant 0 : index
    %get3A_317 = vector.load %arg7[%get3A_315, %get3A_316] : memref<32x32xf32, #tpu.memory_space<vmem>>, vector<32x32xf32>
    %dot_general3A_318 = arith.constant dense<0.000000e+00> : vector<400x32xf32>
    %dot_general3A_319 = tpu.matmul %dot_general3A_314, %get3A_317, %dot_general3A_318 {dimension_numbers = #tpu.dot_dimension_numbers<[1], [0], [0], [1], [0, 0, 1, 1], [], []>, transpose_lhs_hint = false} : vector<400x32xf32>, vector<32x32xf32>, vector<400x32xf32> -> vector<400x32xf32>
    %get3A_320 = arith.constant 0 : index
    %get3A_321 = arith.constant 0 : index
    %get3A_322 = vector.load %arg8[%get3A_320, %get3A_321] : memref<1x32xf32, #tpu.memory_space<vmem>>, vector<1x32xf32>
    %add3A_323 = vector.broadcast %get3A_322 : vector<1x32xf32> to vector<400x32xf32>
    %add3A_324 = arith.addf %dot_general3A_319, %add3A_323 : vector<400x32xf32>
    %get3A_325 = arith.constant 0 : index
    %get3A_326 = arith.constant 0 : index
    %get3A_327 = vector.load %arg9[%get3A_325, %get3A_326] : memref<32x32xf32, #tpu.memory_space<vmem>>, vector<32x32xf32>
    %dot_general3A_328 = arith.constant dense<0.000000e+00> : vector<400x32xf32>
    %dot_general3A_329 = tpu.matmul %add3A_239, %get3A_327, %dot_general3A_328 {dimension_numbers = #tpu.dot_dimension_numbers<[1], [0], [0], [1], [0, 0, 1, 1], [], []>, transpose_lhs_hint = false} : vector<400x32xf32>, vector<32x32xf32>, vector<400x32xf32> -> vector<400x32xf32>
    %add3A_330 = arith.addf %add3A_324, %dot_general3A_329 : vector<400x32xf32>
    %get3A_331 = arith.constant 0 : index
    %get3A_332 = arith.constant 0 : index
    %get3A_333 = vector.load %arg10[%get3A_331, %get3A_332] : memref<1x32xf32, #tpu.memory_space<vmem>>, vector<1x32xf32>
    %add3A_334 = vector.broadcast %get3A_333 : vector<1x32xf32> to vector<400x32xf32>
    %add3A_335 = arith.addf %add3A_330, %add3A_334 : vector<400x32xf32>
    %logistic3A_336 = arith.negf %add3A_335 : vector<400x32xf32>
    %logistic3A_337 = math.exp %logistic3A_336 : vector<400x32xf32>
    %logistic3A_338 = arith.constant 1.000000e+00 : f32
    %logistic3A_339 = vector.broadcast %logistic3A_338 : f32 to vector<400x32xf32>
    %logistic3A_340 = arith.addf %logistic3A_339, %logistic3A_337 : vector<400x32xf32>
    %logistic3A_341 = arith.divf %logistic3A_339, %logistic3A_340 : vector<400x32xf32>
    %get3A_342 = arith.constant 0 : index
    %get3A_343 = arith.constant 0 : index
    %get3A_344 = vector.load %arg13[%get3A_342, %get3A_343] : memref<32x1xf32, #tpu.memory_space<vmem>>, vector<32x1xf32>
    %dot_general3A_345 = arith.constant dense<0.000000e+00> : vector<400x1xf32>
    %dot_general3A_346 = tpu.matmul %logistic3A_341, %get3A_344, %dot_general3A_345 {dimension_numbers = #tpu.dot_dimension_numbers<[1], [0], [0], [1], [0, 0, 1, 1], [], []>, transpose_lhs_hint = false} : vector<400x32xf32>, vector<32x1xf32>, vector<400x1xf32> -> vector<400x1xf32>
    %get3A_347 = arith.constant 0 : index
    %get3A_348 = arith.constant 0 : index
    %get3A_349 = vector.load %arg14[%get3A_347, %get3A_348] : memref<1x1xf32, #tpu.memory_space<vmem>>, vector<1x1xf32>
    %add3A_350 = vector.broadcast %get3A_349 : vector<1x1xf32> to vector<400x1xf32>
    %add3A_351 = arith.addf %dot_general3A_346, %add3A_350 : vector<400x1xf32>
    %mul3A_352 = vector.broadcast %add3A_351 : vector<400x1xf32> to vector<400x32xf32>
    %mul3A_353 = arith.mulf %mul3A_352, %add3A_239 : vector<400x32xf32>
    %dot_general3A_354 = arith.constant dense<0.000000e+00> : vector<8x32xf32>
    %dot_general3A_355 = tpu.matmul %convert_element_type3A_274, %mul3A_353, %dot_general3A_354 {dimension_numbers = #tpu.dot_dimension_numbers<[1], [0], [0], [1], [0, 0, 1, 1], [], []>, transpose_lhs_hint = false} : vector<8x400xf32>, vector<400x32xf32>, vector<8x32xf32> -> vector<8x32xf32>
    %concatenate3A = tpu.concatenate %dot_general3A_312, %dot_general3A_355 in 1 : vector<8x32xf32>, vector<8x32xf32> -> vector<8x64xf32>
    %get3A_356 = arith.constant 0 : index
    %get3A_357 = arith.constant 0 : index
    %get3A_358 = vector.load %arg15[%get3A_356, %get3A_357] : memref<64x32xf32, #tpu.memory_space<vmem>>, vector<64x32xf32>
    %dot_general3A_359 = arith.constant dense<0.000000e+00> : vector<8x32xf32>
    %dot_general3A_360 = tpu.matmul %concatenate3A, %get3A_358, %dot_general3A_359 {dimension_numbers = #tpu.dot_dimension_numbers<[1], [0], [0], [1], [0, 0, 1, 1], [], []>, transpose_lhs_hint = false} : vector<8x64xf32>, vector<64x32xf32>, vector<8x32xf32> -> vector<8x32xf32>
    %get3A_361 = arith.constant 0 : index
    %get3A_362 = arith.constant 0 : index
    %get3A_363 = vector.load %arg16[%get3A_361, %get3A_362] : memref<1x32xf32, #tpu.memory_space<vmem>>, vector<1x32xf32>
    %add3A_364 = vector.broadcast %get3A_363 : vector<1x32xf32> to vector<8x32xf32>
    %add3A_365 = arith.addf %dot_general3A_360, %add3A_364 : vector<8x32xf32>
    %iota3A_366 = tpu.iota {dimensions = array<i32: 0>} : vector<448x400xi32>
    %iota3A_367 = tpu.iota {dimensions = array<i32: 1>} : vector<448x400xi32>
    %jit3A_368 = arith.constant 56 : i32
    %div3A_369 = vector.broadcast %jit3A_368 : i32 to vector<448x400xi32>
    %div3A_370 = arith.divsi %iota3A_366, %div3A_369 : vector<448x400xi32>
    %sign3A_371 = arith.constant 0 : i32
    %sign3A_372 = vector.broadcast %sign3A_371 : i32 to vector<448x400xi32>
    %sign3A_373 = arith.cmpi sgt, %iota3A_366, %sign3A_372 : vector<448x400xi32>
    %sign3A_374 = arith.extui %sign3A_373 : vector<448x400xi1> to vector<448x400xi32>
    %sign3A_375 = arith.constant 0 : i32
    %sign3A_376 = vector.broadcast %sign3A_375 : i32 to vector<448x400xi32>
    %sign3A_377 = arith.cmpi slt, %iota3A_366, %sign3A_376 : vector<448x400xi32>
    %sign3A_378 = arith.extui %sign3A_377 : vector<448x400xi1> to vector<448x400xi32>
    %sign3A_379 = arith.subi %sign3A_374, %sign3A_378 : vector<448x400xi32>
    %sign3A_380 = arith.constant 0 : i32
    %sign3A_381 = arith.cmpi sgt, %jit3A_368, %sign3A_380 : i32
    %sign3A_382 = arith.extui %sign3A_381 : i1 to i32
    %sign3A_383 = arith.constant 0 : i32
    %sign3A_384 = arith.cmpi slt, %jit3A_368, %sign3A_383 : i32
    %sign3A_385 = arith.extui %sign3A_384 : i1 to i32
    %sign3A_386 = arith.subi %sign3A_382, %sign3A_385 : i32
    %ne3A_387 = vector.broadcast %sign3A_386 : i32 to vector<448x400xi32>
    %ne3A_388 = arith.cmpi ne, %sign3A_379, %ne3A_387 : vector<448x400xi32>
    %rem3A_389 = vector.broadcast %jit3A_368 : i32 to vector<448x400xi32>
    %rem3A_390 = arith.remsi %iota3A_366, %rem3A_389 : vector<448x400xi32>
    %ne3A_391 = arith.constant 0 : i32
    %ne3A_392 = vector.broadcast %ne3A_391 : i32 to vector<448x400xi32>
    %ne3A_393 = arith.cmpi ne, %rem3A_390, %ne3A_392 : vector<448x400xi32>
    %and3A_394 = arith.andi %ne3A_388, %ne3A_393 : vector<448x400xi1>
    %sub3A_395 = arith.constant 1 : i32
    %sub3A_396 = vector.broadcast %sub3A_395 : i32 to vector<448x400xi32>
    %sub3A_397 = arith.subi %div3A_370, %sub3A_396 : vector<448x400xi32>
    %select_n3A_398 = arith.select %and3A_394, %sub3A_397, %div3A_370 : vector<448x400xi1>, vector<448x400xi32>
    %mul3A_399 = arith.constant 50 : i32
    %mul3A_400 = vector.broadcast %mul3A_399 : i32 to vector<448x400xi32>
    %mul3A_401 = arith.muli %select_n3A_398, %mul3A_400 : vector<448x400xi32>
    %jit3A_402 = arith.constant 56 : i32
    %eq3A_403 = arith.constant 0 : i32
    %eq3A_404 = arith.cmpi eq, %jit3A_402, %eq3A_403 : i32
    %jit3A_405 = arith.constant 1 : i32
    %select_n3A_406 = arith.select %eq3A_404, %jit3A_405, %jit3A_402 : i32
    %rem3A_407 = vector.broadcast %select_n3A_406 : i32 to vector<448x400xi32>
    %rem3A_408 = arith.remsi %iota3A_366, %rem3A_407 : vector<448x400xi32>
    %ne3A_409 = arith.constant 0 : i32
    %ne3A_410 = vector.broadcast %ne3A_409 : i32 to vector<448x400xi32>
    %ne3A_411 = arith.cmpi ne, %rem3A_408, %ne3A_410 : vector<448x400xi32>
    %lt3A = arith.constant 0 : i32
    %lt3A_412 = vector.broadcast %lt3A : i32 to vector<448x400xi32>
    %lt3A_413 = arith.cmpi slt, %rem3A_408, %lt3A_412 : vector<448x400xi32>
    %lt3A_414 = arith.constant 0 : i32
    %lt3A_415 = arith.cmpi slt, %select_n3A_406, %lt3A_414 : i32
    %ne3A_416 = vector.broadcast %lt3A_415 : i1 to vector<448x400xi1>
    %ne3A_417 = vector.broadcast %ne3A_416 : vector<448x400xi1> to vector<448x400xi1>
    %ne3A_418 = arith.xori %lt3A_413, %ne3A_417 : vector<448x400xi1>
    %and3A_419 = arith.andi %ne3A_418, %ne3A_411 : vector<448x400xi1>
    %add3A_420 = vector.broadcast %select_n3A_406 : i32 to vector<448x400xi32>
    %add3A_421 = arith.addi %rem3A_408, %add3A_420 : vector<448x400xi32>
    %select_n3A_422 = arith.select %and3A_419, %add3A_421, %rem3A_408 : vector<448x400xi1>, vector<448x400xi32>
    %add3A_423 = arith.addi %mul3A_401, %select_n3A_422 : vector<448x400xi32>
    %jit3A_424 = arith.constant 56 : i32
    %eq3A_425 = arith.constant 0 : i32
    %eq3A_426 = arith.cmpi eq, %jit3A_424, %eq3A_425 : i32
    %jit3A_427 = arith.constant 1 : i32
    %select_n3A_428 = arith.select %eq3A_426, %jit3A_427, %jit3A_424 : i32
    %rem3A_429 = vector.broadcast %select_n3A_428 : i32 to vector<448x400xi32>
    %rem3A_430 = arith.remsi %iota3A_366, %rem3A_429 : vector<448x400xi32>
    %ne3A_431 = arith.constant 0 : i32
    %ne3A_432 = vector.broadcast %ne3A_431 : i32 to vector<448x400xi32>
    %ne3A_433 = arith.cmpi ne, %rem3A_430, %ne3A_432 : vector<448x400xi32>
    %lt3A_434 = arith.constant 0 : i32
    %lt3A_435 = vector.broadcast %lt3A_434 : i32 to vector<448x400xi32>
    %lt3A_436 = arith.cmpi slt, %rem3A_430, %lt3A_435 : vector<448x400xi32>
    %lt3A_437 = arith.constant 0 : i32
    %lt3A_438 = arith.cmpi slt, %select_n3A_428, %lt3A_437 : i32
    %ne3A_439 = vector.broadcast %lt3A_438 : i1 to vector<448x400xi1>
    %ne3A_440 = vector.broadcast %ne3A_439 : vector<448x400xi1> to vector<448x400xi1>
    %ne3A_441 = arith.xori %lt3A_436, %ne3A_440 : vector<448x400xi1>
    %and3A_442 = arith.andi %ne3A_441, %ne3A_433 : vector<448x400xi1>
    %add3A_443 = vector.broadcast %select_n3A_428 : i32 to vector<448x400xi32>
    %add3A_444 = arith.addi %rem3A_430, %add3A_443 : vector<448x400xi32>
    %select_n3A_445 = arith.select %and3A_442, %add3A_444, %rem3A_430 : vector<448x400xi1>, vector<448x400xi32>
    %lt3A_446 = arith.constant 50 : i32
    %lt3A_447 = vector.broadcast %lt3A_446 : i32 to vector<448x400xi32>
    %lt3A_448 = arith.cmpi slt, %select_n3A_445, %lt3A_447 : vector<448x400xi32>
    %eq3A_449 = arith.cmpi eq, %iota3A_367, %add3A_423 : vector<448x400xi32>
    %and3A_450 = arith.andi %lt3A_448, %eq3A_449 : vector<448x400xi1>
    %convert_element_type3A_451 = arith.extui %and3A_450 : vector<448x400xi1> to vector<448x400xi32>
    %convert_element_type3A_452 = arith.sitofp %convert_element_type3A_451 : vector<448x400xi32> to vector<448x400xf32>
    %dot_general3A_453 = arith.constant dense<0.000000e+00> : vector<448x32xf32>
    %dot_general3A_454 = tpu.matmul %convert_element_type3A_452, %add3A_239, %dot_general3A_453 {dimension_numbers = #tpu.dot_dimension_numbers<[1], [0], [0], [1], [0, 0, 1, 1], [], []>, transpose_lhs_hint = false} : vector<448x400xf32>, vector<400x32xf32>, vector<448x32xf32> -> vector<448x32xf32>
    %get3A_455 = arith.constant 0 : index
    %get3A_456 = arith.constant 0 : index
    %get3A_457 = vector.load %arg11[%get3A_455, %get3A_456] : memref<32x32xf32, #tpu.memory_space<vmem>>, vector<32x32xf32>
    %dot_general3A_458 = arith.constant dense<0.000000e+00> : vector<448x32xf32>
    %dot_general3A_459 = tpu.matmul %dot_general3A_454, %get3A_457, %dot_general3A_458 {dimension_numbers = #tpu.dot_dimension_numbers<[1], [0], [0], [1], [0, 0, 1, 1], [], []>, transpose_lhs_hint = false} : vector<448x32xf32>, vector<32x32xf32>, vector<448x32xf32> -> vector<448x32xf32>
    %get3A_460 = arith.constant 0 : index
    %get3A_461 = arith.constant 0 : index
    %get3A_462 = vector.load %arg12[%get3A_460, %get3A_461] : memref<1x32xf32, #tpu.memory_space<vmem>>, vector<1x32xf32>
    %add3A_463 = vector.broadcast %get3A_462 : vector<1x32xf32> to vector<448x32xf32>
    %add3A_464 = arith.addf %dot_general3A_459, %add3A_463 : vector<448x32xf32>
    %swap3A = arith.constant 0 : index
    %swap3A_465 = arith.constant 0 : index
    %swap3A_466 = vector.load %arg17[%swap3A, %swap3A_465] : memref<904x32xf32, #tpu.memory_space<vmem>>, vector<448x32xf32>
    tpu.vector_store %arg17[%swap3A, %swap3A_465], %add3A_464 {strides = array<i32>} : memref<904x32xf32, #tpu.memory_space<vmem>>, vector<448x32xf32>,
    %swap3A_467 = arith.constant 448 : index
    %swap3A_468 = arith.constant 0 : index
    %swap3A_469 = vector.load %arg17[%swap3A_467, %swap3A_468] : memref<904x32xf32, #tpu.memory_space<vmem>>, vector<448x32xf32>
    tpu.vector_store %arg17[%swap3A_467, %swap3A_468], %dot_general3A_454 {strides = array<i32>} : memref<904x32xf32, #tpu.memory_space<vmem>>, vector<448x32xf32>,
    %swap3A_470 = arith.constant 896 : index
    %swap3A_471 = arith.constant 0 : index
    %swap3A_472 = vector.load %arg17[%swap3A_470, %swap3A_471] : memref<904x32xf32, #tpu.memory_space<vmem>>, vector<8x32xf32>
    tpu.vector_store %arg17[%swap3A_470, %swap3A_471], %add3A_365 {strides = array<i32>} : memref<904x32xf32, #tpu.memory_space<vmem>>, vector<8x32xf32>,
    return
  }
}

module attributes {stable_mosaic.version = 14 : i64} {
  func.func @_big_body(%arg0: i32, %arg1: memref<904x32xf32, #tpu.memory_space<vmem>>, %arg2: memref<4096x32xf32, #tpu.memory_space<vmem>>, %arg3: memref<8x4096xf32, #tpu.memory_space<vmem>>) attributes {dimension_semantics = [#tpu.dimension_semantics<arbitrary>], iteration_bounds = array<i64: 25>, scalar_prefetch = 0 : i64, scratch_operands = 0 : i64, tpu.core_type = #tpu.core_type<tc>, window_params = [{pipeline_mode = #tpu.pipeline_mode<synchronous>, transform_indices = @transform_0, window_bounds = array<i64: 904, 32>}, {transform_indices = @transform_1, window_bounds = array<i64: 4096, 32>}, {transform_indices = @transform_2, window_bounds = array<i64: 8, 4096>}]} {
    %get3A = arith.constant 0 : index
    %get3A_0 = arith.constant 0 : index
    %get3A_1 = vector.load %arg1[%get3A, %get3A_0] : memref<904x32xf32, #tpu.memory_space<vmem>>, vector<904x32xf32>
    %convert_element_type3A = arith.truncf %get3A_1 : vector<904x32xf32> to vector<904x32xbf16>
    %get3A_2 = arith.constant 0 : index
    %get3A_3 = arith.constant 0 : index
    %get3A_4 = vector.load %arg2[%get3A_2, %get3A_3] : memref<4096x32xf32, #tpu.memory_space<vmem>>, vector<4096x32xf32>
    %convert_element_type3A_5 = arith.truncf %get3A_4 : vector<4096x32xf32> to vector<4096x32xbf16>
    %dot_general3A = arith.constant dense<0.000000e+00> : vector<904x4096xf32>
    %dot_general3A_6 = tpu.matmul %convert_element_type3A, %convert_element_type3A_5, %dot_general3A {dimension_numbers = #tpu.dot_dimension_numbers<[1], [1], [0], [0], [0, 0, 1, 0], [], []>, transpose_lhs_hint = false} : vector<904x32xbf16>, vector<4096x32xbf16>, vector<904x4096xf32> -> vector<904x4096xf32>
    %iota3A = tpu.iota {dimensions = array<i32: 0>} : vector<56x1xi32>
    %lt3A = arith.constant 50 : i32
    %lt3A_7 = vector.broadcast %lt3A : i32 to vector<56x1xi32>
    %lt3A_8 = arith.cmpi slt, %iota3A, %lt3A_7 : vector<56x1xi32>
    %convert_element_type3A_9 = arith.extui %lt3A_8 : vector<56x1xi1> to vector<56x1xi32>
    %convert_element_type3A_10 = arith.sitofp %convert_element_type3A_9 : vector<56x1xi32> to vector<56x1xf32>
    %slice3A = vector.extract_strided_slice %dot_general3A_6 {offsets = [0, 0], sizes = [56, 4096], strides = [1, 1]} : vector<904x4096xf32> to vector<56x4096xf32>
    %slice3A_11 = vector.extract_strided_slice %dot_general3A_6 {offsets = [448, 0], sizes = [56, 4096], strides = [1, 1]} : vector<904x4096xf32> to vector<56x4096xf32>
    %exp3A = math.exp %slice3A : vector<56x4096xf32>
    %mul3A = vector.broadcast %convert_element_type3A_10 : vector<56x1xf32> to vector<56x4096xf32>
    %mul3A_12 = arith.mulf %exp3A, %mul3A : vector<56x4096xf32>
    %mul3A_13 = arith.mulf %mul3A_12, %slice3A_11 : vector<56x4096xf32>
    %reduce_sum3A = arith.constant dense<0.000000e+00> : vector<4096xf32>
    %reduce_sum3A_14 = vector.multi_reduction <add>, %mul3A_13, %reduce_sum3A [0] : vector<56x4096xf32> to vector<4096xf32>
    %broadcast_in_dim3A = vector.shape_cast %reduce_sum3A_14 : vector<4096xf32> to vector<1x4096xf32>
    %reduce_sum3A_15 = arith.constant dense<0.000000e+00> : vector<4096xf32>
    %reduce_sum3A_16 = vector.multi_reduction <add>, %mul3A_12, %reduce_sum3A_15 [0] : vector<56x4096xf32> to vector<4096xf32>
    %broadcast_in_dim3A_17 = vector.shape_cast %reduce_sum3A_16 : vector<4096xf32> to vector<1x4096xf32>
    %div3A = arith.divf %broadcast_in_dim3A, %broadcast_in_dim3A_17 : vector<1x4096xf32>
    %slice3A_18 = vector.extract_strided_slice %dot_general3A_6 {offsets = [56, 0], sizes = [56, 4096], strides = [1, 1]} : vector<904x4096xf32> to vector<56x4096xf32>
    %slice3A_19 = vector.extract_strided_slice %dot_general3A_6 {offsets = [504, 0], sizes = [56, 4096], strides = [1, 1]} : vector<904x4096xf32> to vector<56x4096xf32>
    %exp3A_20 = math.exp %slice3A_18 : vector<56x4096xf32>
    %mul3A_21 = vector.broadcast %convert_element_type3A_10 : vector<56x1xf32> to vector<56x4096xf32>
    %mul3A_22 = arith.mulf %exp3A_20, %mul3A_21 : vector<56x4096xf32>
    %mul3A_23 = arith.mulf %mul3A_22, %slice3A_19 : vector<56x4096xf32>
    %reduce_sum3A_24 = arith.constant dense<0.000000e+00> : vector<4096xf32>
    %reduce_sum3A_25 = vector.multi_reduction <add>, %mul3A_23, %reduce_sum3A_24 [0] : vector<56x4096xf32> to vector<4096xf32>
    %broadcast_in_dim3A_26 = vector.shape_cast %reduce_sum3A_25 : vector<4096xf32> to vector<1x4096xf32>
    %reduce_sum3A_27 = arith.constant dense<0.000000e+00> : vector<4096xf32>
    %reduce_sum3A_28 = vector.multi_reduction <add>, %mul3A_22, %reduce_sum3A_27 [0] : vector<56x4096xf32> to vector<4096xf32>
    %broadcast_in_dim3A_29 = vector.shape_cast %reduce_sum3A_28 : vector<4096xf32> to vector<1x4096xf32>
    %div3A_30 = arith.divf %broadcast_in_dim3A_26, %broadcast_in_dim3A_29 : vector<1x4096xf32>
    %slice3A_31 = vector.extract_strided_slice %dot_general3A_6 {offsets = [112, 0], sizes = [56, 4096], strides = [1, 1]} : vector<904x4096xf32> to vector<56x4096xf32>
    %slice3A_32 = vector.extract_strided_slice %dot_general3A_6 {offsets = [560, 0], sizes = [56, 4096], strides = [1, 1]} : vector<904x4096xf32> to vector<56x4096xf32>
    %exp3A_33 = math.exp %slice3A_31 : vector<56x4096xf32>
    %mul3A_34 = vector.broadcast %convert_element_type3A_10 : vector<56x1xf32> to vector<56x4096xf32>
    %mul3A_35 = arith.mulf %exp3A_33, %mul3A_34 : vector<56x4096xf32>
    %mul3A_36 = arith.mulf %mul3A_35, %slice3A_32 : vector<56x4096xf32>
    %reduce_sum3A_37 = arith.constant dense<0.000000e+00> : vector<4096xf32>
    %reduce_sum3A_38 = vector.multi_reduction <add>, %mul3A_36, %reduce_sum3A_37 [0] : vector<56x4096xf32> to vector<4096xf32>
    %broadcast_in_dim3A_39 = vector.shape_cast %reduce_sum3A_38 : vector<4096xf32> to vector<1x4096xf32>
    %reduce_sum3A_40 = arith.constant dense<0.000000e+00> : vector<4096xf32>
    %reduce_sum3A_41 = vector.multi_reduction <add>, %mul3A_35, %reduce_sum3A_40 [0] : vector<56x4096xf32> to vector<4096xf32>
    %broadcast_in_dim3A_42 = vector.shape_cast %reduce_sum3A_41 : vector<4096xf32> to vector<1x4096xf32>
    %div3A_43 = arith.divf %broadcast_in_dim3A_39, %broadcast_in_dim3A_42 : vector<1x4096xf32>
    %slice3A_44 = vector.extract_strided_slice %dot_general3A_6 {offsets = [168, 0], sizes = [56, 4096], strides = [1, 1]} : vector<904x4096xf32> to vector<56x4096xf32>
    %slice3A_45 = vector.extract_strided_slice %dot_general3A_6 {offsets = [616, 0], sizes = [56, 4096], strides = [1, 1]} : vector<904x4096xf32> to vector<56x4096xf32>
    %exp3A_46 = math.exp %slice3A_44 : vector<56x4096xf32>
    %mul3A_47 = vector.broadcast %convert_element_type3A_10 : vector<56x1xf32> to vector<56x4096xf32>
    %mul3A_48 = arith.mulf %exp3A_46, %mul3A_47 : vector<56x4096xf32>
    %mul3A_49 = arith.mulf %mul3A_48, %slice3A_45 : vector<56x4096xf32>
    %reduce_sum3A_50 = arith.constant dense<0.000000e+00> : vector<4096xf32>
    %reduce_sum3A_51 = vector.multi_reduction <add>, %mul3A_49, %reduce_sum3A_50 [0] : vector<56x4096xf32> to vector<4096xf32>
    %broadcast_in_dim3A_52 = vector.shape_cast %reduce_sum3A_51 : vector<4096xf32> to vector<1x4096xf32>
    %reduce_sum3A_53 = arith.constant dense<0.000000e+00> : vector<4096xf32>
    %reduce_sum3A_54 = vector.multi_reduction <add>, %mul3A_48, %reduce_sum3A_53 [0] : vector<56x4096xf32> to vector<4096xf32>
    %broadcast_in_dim3A_55 = vector.shape_cast %reduce_sum3A_54 : vector<4096xf32> to vector<1x4096xf32>
    %div3A_56 = arith.divf %broadcast_in_dim3A_52, %broadcast_in_dim3A_55 : vector<1x4096xf32>
    %slice3A_57 = vector.extract_strided_slice %dot_general3A_6 {offsets = [224, 0], sizes = [56, 4096], strides = [1, 1]} : vector<904x4096xf32> to vector<56x4096xf32>
    %slice3A_58 = vector.extract_strided_slice %dot_general3A_6 {offsets = [672, 0], sizes = [56, 4096], strides = [1, 1]} : vector<904x4096xf32> to vector<56x4096xf32>
    %exp3A_59 = math.exp %slice3A_57 : vector<56x4096xf32>
    %mul3A_60 = vector.broadcast %convert_element_type3A_10 : vector<56x1xf32> to vector<56x4096xf32>
    %mul3A_61 = arith.mulf %exp3A_59, %mul3A_60 : vector<56x4096xf32>
    %mul3A_62 = arith.mulf %mul3A_61, %slice3A_58 : vector<56x4096xf32>
    %reduce_sum3A_63 = arith.constant dense<0.000000e+00> : vector<4096xf32>
    %reduce_sum3A_64 = vector.multi_reduction <add>, %mul3A_62, %reduce_sum3A_63 [0] : vector<56x4096xf32> to vector<4096xf32>
    %broadcast_in_dim3A_65 = vector.shape_cast %reduce_sum3A_64 : vector<4096xf32> to vector<1x4096xf32>
    %reduce_sum3A_66 = arith.constant dense<0.000000e+00> : vector<4096xf32>
    %reduce_sum3A_67 = vector.multi_reduction <add>, %mul3A_61, %reduce_sum3A_66 [0] : vector<56x4096xf32> to vector<4096xf32>
    %broadcast_in_dim3A_68 = vector.shape_cast %reduce_sum3A_67 : vector<4096xf32> to vector<1x4096xf32>
    %div3A_69 = arith.divf %broadcast_in_dim3A_65, %broadcast_in_dim3A_68 : vector<1x4096xf32>
    %slice3A_70 = vector.extract_strided_slice %dot_general3A_6 {offsets = [280, 0], sizes = [56, 4096], strides = [1, 1]} : vector<904x4096xf32> to vector<56x4096xf32>
    %slice3A_71 = vector.extract_strided_slice %dot_general3A_6 {offsets = [728, 0], sizes = [56, 4096], strides = [1, 1]} : vector<904x4096xf32> to vector<56x4096xf32>
    %exp3A_72 = math.exp %slice3A_70 : vector<56x4096xf32>
    %mul3A_73 = vector.broadcast %convert_element_type3A_10 : vector<56x1xf32> to vector<56x4096xf32>
    %mul3A_74 = arith.mulf %exp3A_72, %mul3A_73 : vector<56x4096xf32>
    %mul3A_75 = arith.mulf %mul3A_74, %slice3A_71 : vector<56x4096xf32>
    %reduce_sum3A_76 = arith.constant dense<0.000000e+00> : vector<4096xf32>
    %reduce_sum3A_77 = vector.multi_reduction <add>, %mul3A_75, %reduce_sum3A_76 [0] : vector<56x4096xf32> to vector<4096xf32>
    %broadcast_in_dim3A_78 = vector.shape_cast %reduce_sum3A_77 : vector<4096xf32> to vector<1x4096xf32>
    %reduce_sum3A_79 = arith.constant dense<0.000000e+00> : vector<4096xf32>
    %reduce_sum3A_80 = vector.multi_reduction <add>, %mul3A_74, %reduce_sum3A_79 [0] : vector<56x4096xf32> to vector<4096xf32>
    %broadcast_in_dim3A_81 = vector.shape_cast %reduce_sum3A_80 : vector<4096xf32> to vector<1x4096xf32>
    %div3A_82 = arith.divf %broadcast_in_dim3A_78, %broadcast_in_dim3A_81 : vector<1x4096xf32>
    %slice3A_83 = vector.extract_strided_slice %dot_general3A_6 {offsets = [336, 0], sizes = [56, 4096], strides = [1, 1]} : vector<904x4096xf32> to vector<56x4096xf32>
    %slice3A_84 = vector.extract_strided_slice %dot_general3A_6 {offsets = [784, 0], sizes = [56, 4096], strides = [1, 1]} : vector<904x4096xf32> to vector<56x4096xf32>
    %exp3A_85 = math.exp %slice3A_83 : vector<56x4096xf32>
    %mul3A_86 = vector.broadcast %convert_element_type3A_10 : vector<56x1xf32> to vector<56x4096xf32>
    %mul3A_87 = arith.mulf %exp3A_85, %mul3A_86 : vector<56x4096xf32>
    %mul3A_88 = arith.mulf %mul3A_87, %slice3A_84 : vector<56x4096xf32>
    %reduce_sum3A_89 = arith.constant dense<0.000000e+00> : vector<4096xf32>
    %reduce_sum3A_90 = vector.multi_reduction <add>, %mul3A_88, %reduce_sum3A_89 [0] : vector<56x4096xf32> to vector<4096xf32>
    %broadcast_in_dim3A_91 = vector.shape_cast %reduce_sum3A_90 : vector<4096xf32> to vector<1x4096xf32>
    %reduce_sum3A_92 = arith.constant dense<0.000000e+00> : vector<4096xf32>
    %reduce_sum3A_93 = vector.multi_reduction <add>, %mul3A_87, %reduce_sum3A_92 [0] : vector<56x4096xf32> to vector<4096xf32>
    %broadcast_in_dim3A_94 = vector.shape_cast %reduce_sum3A_93 : vector<4096xf32> to vector<1x4096xf32>
    %div3A_95 = arith.divf %broadcast_in_dim3A_91, %broadcast_in_dim3A_94 : vector<1x4096xf32>
    %slice3A_96 = vector.extract_strided_slice %dot_general3A_6 {offsets = [392, 0], sizes = [56, 4096], strides = [1, 1]} : vector<904x4096xf32> to vector<56x4096xf32>
    %slice3A_97 = vector.extract_strided_slice %dot_general3A_6 {offsets = [840, 0], sizes = [56, 4096], strides = [1, 1]} : vector<904x4096xf32> to vector<56x4096xf32>
    %exp3A_98 = math.exp %slice3A_96 : vector<56x4096xf32>
    %mul3A_99 = vector.broadcast %convert_element_type3A_10 : vector<56x1xf32> to vector<56x4096xf32>
    %mul3A_100 = arith.mulf %exp3A_98, %mul3A_99 : vector<56x4096xf32>
    %mul3A_101 = arith.mulf %mul3A_100, %slice3A_97 : vector<56x4096xf32>
    %reduce_sum3A_102 = arith.constant dense<0.000000e+00> : vector<4096xf32>
    %reduce_sum3A_103 = vector.multi_reduction <add>, %mul3A_101, %reduce_sum3A_102 [0] : vector<56x4096xf32> to vector<4096xf32>
    %broadcast_in_dim3A_104 = vector.shape_cast %reduce_sum3A_103 : vector<4096xf32> to vector<1x4096xf32>
    %reduce_sum3A_105 = arith.constant dense<0.000000e+00> : vector<4096xf32>
    %reduce_sum3A_106 = vector.multi_reduction <add>, %mul3A_100, %reduce_sum3A_105 [0] : vector<56x4096xf32> to vector<4096xf32>
    %broadcast_in_dim3A_107 = vector.shape_cast %reduce_sum3A_106 : vector<4096xf32> to vector<1x4096xf32>
    %div3A_108 = arith.divf %broadcast_in_dim3A_104, %broadcast_in_dim3A_107 : vector<1x4096xf32>
    %concatenate3A = tpu.concatenate %div3A, %div3A_30, %div3A_43, %div3A_56, %div3A_69, %div3A_82, %div3A_95, %div3A_108 in 0 : vector<1x4096xf32>, vector<1x4096xf32>, vector<1x4096xf32>, vector<1x4096xf32>, vector<1x4096xf32>, vector<1x4096xf32>, vector<1x4096xf32>, vector<1x4096xf32> -> vector<8x4096xf32>
    %slice3A_109 = vector.extract_strided_slice %dot_general3A_6 {offsets = [896, 0], sizes = [8, 4096], strides = [1, 1]} : vector<904x4096xf32> to vector<8x4096xf32>
    %add3A = arith.addf %concatenate3A, %slice3A_109 : vector<8x4096xf32>
    %swap3A = arith.constant 0 : index
    %swap3A_110 = arith.constant 0 : index
    %swap3A_111 = vector.load %arg3[%swap3A, %swap3A_110] : memref<8x4096xf32, #tpu.memory_space<vmem>>, vector<8x4096xf32>
    tpu.vector_store %arg3[%swap3A, %swap3A_110], %add3A {strides = array<i32>} : memref<8x4096xf32, #tpu.memory_space<vmem>>, vector<8x4096xf32>,
    return
  }
  func.func @transform_0(%arg0: i32) -> (i32, i32) {
    %c0_i32 = arith.constant 0 : i32
    %c0_i32_0 = arith.constant 0 : i32
    %c0_i32_1 = arith.constant 0 : i32
    return %c0_i32, %c0_i32_0 : i32, i32
  }
  func.func @transform_1(%arg0: i32) -> (i32, i32) {
    %c0_i32 = arith.constant 0 : i32
    %c0_i32_0 = arith.constant 0 : i32
    return %arg0, %c0_i32 : i32, i32
  }
  func.func @transform_2(%arg0: i32) -> (i32, i32) {
    %c0_i32 = arith.constant 0 : i32
    %c0_i32_0 = arith.constant 0 : i32
    return %c0_i32, %arg0 : i32, i32
  }
}

</mosaic_0001>

<sc_bundles>
// kernel: kernel.5.cloned.1.call-start
scs
__scs_entry_jumppad:
0x0: {  	(pc) =	sbr.rel $0x88, $3  }
0x1: {  	(tag) =	ssettag $0x0;
	lr =	simm.s32 $0x1  }
0x2: {  	[smem:$0x3F8E] =	sst lr;
	_ =	strace $0xD0000000  }
0x3: {  	_ = 	snop  }
0x4: {  	_ = 	snop  }
0x5: {  	_ = 	snop  }
0x6: {  	_ = 	snop  }
0x7: {  	_ = 	snop  }
__scs_overlays_trampoline_lowered:
0x8: {  	[smem:$0x3F9D] =	sst s0  }
0x9: {  	[smem:$0x3F9E] =	sst s1  }
0xa: {  	[smem:$0x3F9F] =	sst s2  }
0xb: {  	[smem:$0x3FA0] =	sst s3  }
0xc: {  	[smem:$0x3FA1] =	sst s4  }
0xd: {  	[smem:$0x3FA2] =	sst s5  }
0xe: {  	[smem:$0x3FA3] =	sst s6  }
0xf: {  	[smem:$0x3FA4] =	sst s7  }
0x10: {  	[smem:$0x3FA5] =	sst s8  }
0x11: {  	[smem:$0x3FA6] =	sst s9;
	s0 =	simm.s32 @!p0 $0x0  }
0x12: {  	s1 =	sld [smem:$0x3F8C];
	s0 =	simm.s32 @p0 $0x1  }
0x13: {  	[smem:$0x3FA7] =	sst s0;
	s0 =	simm.s32 @!p1 $0x0  }
0x14: {  	s2 =	sld [smem:$0x3F8B];
	s0 =	simm.s32 @p1 $0x1  }
0x15: {  	[smem:$0x3FA8] =	sst s0;
	s0 =	simm.s32 @!p2 $0x0  }
0x16: {  	s3 =	sld [smem:$0x3FDB];
	s0 =	simm.s32 @p2 $0x1  }
0x17: {  	s4 =	simm.s32 $0x1BF5;
	[smem:$0x3FAA] =	sst s0  }
0x18: {  	s0 =	sld [smem:$0x3F8D];
	_ =	swait.ge [sflag:s4], $0x0  }
0x19: {  	s7 =	sld [smem:$0x3F8E]  }
0x1a: {  	s8 =	sadd.s32 $0xFFFFE003, lr  }
0x1b: {  	s9 =	sadd.s32 $0xFFFFFEF7, lr;
	s5 =	simm.s32 $0xFFFFFFFF;
	p2 =	slt.u32 s8, $0xFFFFF086  }
0x1c: {  	p1 =	slt.u32 s9, $0xF7A;
	s5 =	simm.s32 @!p2 $0x0  }
0x1d: {  	s5 =	simm.s32 @p1 $0x1;
	p0 =	seq.s32 s7, s2  }
0x1e: {  	s7 =	smul.u32 @!p0 $0xF7A, s2;
	p2 =	seq.s32 @!p0 s5, $0x0  }
0x1f: {  	s9 =	smul.u32 $0xF7A, s1;
	s8 =	simm.s32 @!p0 $0x1BF5;
	p2 =	por !p2, p0  }
0x20: {  	[sflag:s8] =	ssyncset.s32 @!p0 $0xFFFFF086;
	s6 =	sadd.s32 @!p0 s3, s7;
	s7 =	simm.s32 @!p0 $0x108  }
0x21: {  	s3 =	sadd.s32 s3, s9;
	s6 =	sadd.s32 @!p0 $0x88, s6;
	s7 =	simm.s32 @p2 $0x1082  }
0x22: {  	[simem:s7], [sflag:s8] =	dma.local @!p0 [hbm:s6], $0xF7A  }
0x23: {  	s9 =	sor.u32 $0xD0000000, s2;
	s6 =	simm.s32 $0x108;
	_ =	swait.ge @!p0 [sflag:s8], $0x0  }
0x24: {  	s3 =	sadd.s32 $0x88, s3;
	s6 =	simm.s32 @!p1 $0x1082;
	[sflag:s4] =	ssyncset.s32 $0xFFFFF086  }
0x25: {  	[simem:s6], [sflag:s4] =	dma.local [hbm:s3], $0xF7A  }
0x26: {  	[smem:$0x3F8E] =	sst s1;
	(tag) =	ssettag s2;
	_ =	strace s9  }
0x27: {  	s1 =	sld [smem:$0x3F9E]  }
0x28: {  	s2 =	sld [smem:$0x3F9F]  }
0x29: {  	s4 =	sld [smem:$0x3FA1]  }
0x2a: {  	p0 =	seq.s32 s5, $0x0;
	s5 =	sld [smem:$0x3FA2]  }
0x2b: {  	s6 =	sld [smem:$0x3FA3]  }
0x2c: {  	s7 =	sld [smem:$0x3FA4]  }
0x2d: {  	s3 =	simm.s32 $0x108;
	s8 =	sld [smem:$0x3FA5]  }
0x2e: {  	s3 =	simm.s32 @!p0 $0x1082;
	s9 =	sld [smem:$0x3FA6]  }
0x2f: {  	lr =	sadd.s32 s0, s3;
	s0 =	sld [smem:$0x3F9D]  }
0x30: {  	s3 =	sld [smem:$0x3FA0]  }
0x31: {  	[smem:$0x3FA9] =	sst s10  }
0x32: {  	s10 =	sld [smem:$0x3FA7];
	_ =	sdelay $0x3  }
0x33: {  	p0 =	seq.s32 s10, $0x1;
	s10 =	sld [smem:$0x3FA9];
	_ =	sdelay $0x3  }
0x34: {  	[smem:$0x3FA9] =	sst s10  }
0x35: {  	s10 =	sld [smem:$0x3FA8];
	_ =	sdelay $0x3  }
0x36: {  	p1 =	seq.s32 s10, $0x1;
	s10 =	sld [smem:$0x3FA9];
	_ =	sdelay $0x3  }
0x37: {  	[smem:$0x3FA9] =	sst s10  }
0x38: {  	s10 =	sld [smem:$0x3FAA]  }
0x39: {  	_ = 	snop;
	(pc) =	sbr.ind lr, $3  }
0x3a: {  	_ = 	snop  }
0x3b: {  	_ = 	snop  }
0x3c: {  	p2 =	seq.s32 s10, $0x1;
	s10 =	sld [smem:$0x3FA9]  }
0x3d: {  	_ =	shalt  }
0x3e: {  	_ =	shalt  }
0x3f: {  	_ =	shalt  }
0x40: {  	_ =	shalt  }
0x41: {  	_ =	shalt  }
0x42: {  	_ =	shalt  }
0x43: {  	_ =	shalt  }
0x44: {  	_ =	shalt  }
0x45: {  	_ =	shalt  }
0x46: {  	_ =	shalt  }
0x47: {  	_ =	shalt  }
0x48: {  	_ =	shalt  }
0x49: {  	_ =	shalt  }
0x4a: {  	_ =	shalt  }
0x4b: {  	_ =	shalt  }
0x4c: {  	_ =	shalt  }
0x4d: {  	_ =	shalt  }
0x4e: {  	_ =	shalt  }
0x4f: {  	_ =	shalt  }
0x50: {  	_ =	shalt  }
0x51: {  	_ =	shalt  }
0x52: {  	_ =	shalt  }
0x53: {  	_ =	shalt  }
0x54: {  	_ =	shalt  }
0x55: {  	_ =	shalt  }
0x56: {  	_ =	shalt  }
0x57: {  	_ =	shalt  }
0x58: {  	_ =	shalt  }
0x59: {  	_ =	shalt  }
0x5a: {  	_ =	shalt  }
0x5b: {  	_ =	shalt  }
0x5c: {  	_ =	shalt  }
0x5d: {  	_ =	shalt  }
0x5e: {  	_ =	shalt  }
0x5f: {  	_ =	shalt  }
0x60: {  	_ =	shalt  }
0x61: {  	_ =	shalt  }
0x62: {  	_ =	shalt  }
0x63: {  	_ =	shalt  }
0x64: {  	_ =	shalt  }
0x65: {  	_ =	shalt  }
0x66: {  	_ =	shalt  }
0x67: {  	_ =	shalt  }
0x68: {  	_ =	shalt  }
0x69: {  	_ =	shalt  }
0x6a: {  	_ =	shalt  }
0x6b: {  	_ =	shalt  }
0x6c: {  	_ =	shalt  }
0x6d: {  	_ =	shalt  }
0x6e: {  	_ =	shalt  }
0x6f: {  	_ =	shalt  }
0x70: {  	_ =	shalt  }
0x71: {  	_ =	shalt  }
0x72: {  	_ =	shalt  }
0x73: {  	_ =	shalt  }
0x74: {  	_ =	shalt  }
0x75: {  	_ =	shalt  }
0x76: {  	_ =	shalt  }
0x77: {  	_ =	shalt  }
0x78: {  	_ =	shalt  }
0x79: {  	_ =	shalt  }
0x7a: {  	_ =	shalt  }
0x7b: {  	_ =	shalt  }
0x7c: {  	_ =	shalt  }
0x7d: {  	_ =	shalt  }
0x7e: {  	_ =	shalt  }
0x7f: {  	_ =	shalt  }
0x80: {  	_ =	shalt  }
0x81: {  	_ =	shalt  }
0x82: {  	_ =	shalt  }
0x83: {  	_ =	shalt  }
0x84: {  	_ =	shalt  }
0x85: {  	_ =	shalt  }
0x86: {  	_ =	shalt  }
0x87: {  	_ =	shalt  }
.Lfunc_end0:
.L_simem_size_0:
called_computation_lowered:
.L_overlay_start_0:
0x88: {  	s2 =	sld [smem:$0x3FD9]  }
0x89: {  	s3 =	sld [smem:$0x3FFE];
	_ =	sdelay $0x1  }
0x8a: {  	s1 =	srdreg.scid  }
0x8b: {  	s0 =	sand.u32 $0x1, s1  }
0x8c: {  	s17 =	sshll.u32 s0, $0xA;
	s2 =	sadd.s32 s3, s2  }
0x8d: {  	s2 =	sadd.s32 s2, s17  }
0x8e: {  	[smem:$0x3FB5] =	sst s2  }
0x8f: {  	_ = 	snop  }
0x90: {  	s2 =	sld [smem:$0x3FC7]  }
0x91: {  	s18 =	sld [smem:$0x3FD0];
	(tm) =	ssettm $0x1  }
0x92: {  	s4 =	sld [smem:$0x3FFB];
	_ =	sdelay $0x3  }
0x93: {  	_ =	strace s4  }
0x94: {  	s4 =	sld [smem:$0x3FFC];
	_ =	sdelay $0x3  }
0x95: {  	_ =	strace s4  }
0x96: {  	s4 =	sld [smem:$0x3FFD];
	_ =	sdelay $0x3  }
0x97: {  	_ =	strace s4  }
0x98: {  	_ =	strace $0x8FFFFFFF  }
0x99: {  	s19 =	sld [smem:$0x3FDB];
	_ =	sdelay $0x1  }
0x9a: {  	s5 =	simm.s32 $_scs_section_size  }
0x9b: {  	s6 =	simm.s32 $_size__tile_overlayer_lowered;
	s7 =	simm.s32 $_tile_overlayer_lowered  }
0x9c: {  	s22 =	simm.s32 $0x1BFF;
	s21 =	sshll.u32 s7, $0x1;
	s4 =	sadd.s32 s5, s19  }
0x9d: {  	s8 =	simm.s32 $0x0;
	s20 =	sshll.u32 s6, $0x1;
	s6 =	sadd.s32 s21, s4  }
0x9e: {  	[timem:s8], [sflag:s22] =	dma.local [hbm:s6], s20  }
0x9f: {  	_ =	swait.ge [sflag:s22], s20  }
0xa0: {  	s5 =	ssub.s32 $0x0, s20;
	[sflag:s22] =	ssyncset.done $0x0  }
0xa1: {  	[sflag:s22] =	ssyncadd.s32 s5;
	_ =	sdelay $0x1  }
0xa2: {  	s23 =	simm.s32 $0x1B8B  }
0xa3: {  	_ =	swait.ge [sflag:s23], $0x1  }
0xa4: {  	[sflag:s23] =	ssyncset.done $0x0  }
0xa5: {  	s25 =	simm.s32 $0x1B8E;
	s24 =	sld [smem:$0x3FFE];
	[sflag:s23] =	ssyncadd.s32 $0xFFFFFFFF  }
0xa6: {  	s26 =	simm.s32 $execute0_lowered;
	[smem:$0x3FD2] =	sst s25  }
0xa7: {  	s6 =	sshll.u32 s26, $0x1;
	_ =	strace $0x80000046;
	[dreg:$0x1] =	wrdreg $0xFFFFFFFF  }
0xa8: {  	s28 =	simm.s32 $_size_execute0_lowered;
	s4 =	sadd.s32 s4, s6;
	[dreg:$0x0] =	wrdreg $0x0  }
0xa9: {  	s6 =	sshll.u32 s28, $0x1;
	[dreg:$0x2] =	wrdreg s4  }
0xaa: {  	[dreg:$0x3] =	wrdreg s6  }
0xab: {  	[dreg:$0x4] =	wrdreg $0xC0  }
0xac: {  	_ =	task [dreg:s8], $0x5FFFF  }
0xad: {  	[dreg:$0x1] =	wrdreg $0xFFFFFFFF  }
0xae: {  	[dreg:$0x0] =	wrdreg $0x60  }
0xaf: {  	[dreg:$0x2] =	wrdreg s24  }
0xb0: {  	[dreg:$0x3] =	wrdreg s2  }
0xb1: {  	[dreg:$0x4] =	wrdreg s18  }
0xb2: {  	[dreg:$0x5] =	wrdreg $0x9  }
0xb3: {  	_ =	task.clear_ibuf [dreg:s8], $0x6FFFF;
	_ =	strace $0x90000046  }
0xb4: {  	s29 =	simm.s32 $0x9;
	_ =	strace $0x80000048  }
0xb5: {  	_ =	swait.ge [sflag:s29], $0x1  }
0xb6: {  	[sflag:s29] =	ssyncadd.s32 $0xFFFFFFFF  }
0xb7: {  	_ =	strace $0x90000048  }
0xb8: {  	_ =	sfence  }
0xb9: {  	s30 =	sld [smem:$0x0];
	_ =	sdelay $0x2  }
0xba: {  	s31 =	sshll.u32 s1, $0xD;
	s1 =	sshrl.u32 s1, $0x2  }
0xbb: {  	s3 =	sand.u32 $0x4000, s31;
	s1 =	sadd.s32 s1, s30  }
0xbc: {  	s0 =	sor.u32 s3, s0;
	s1 =	sshll.u32 s1, $0x11  }
0xbd: {  	s0 =	sor.u32 s1, s0  }
0xbe: {  	s0 =	sadd.s32 $0x8F2B, s0  }
0xbf: {  	[sflag:s0] =	ssyncadd.remote.s32 $0x1  }
0xc0: {  	_ =	sfence.sel $0xFFFF  }
0xc1: {  	[dreg:$0x0] =	wrdreg $0xFFFFFFFF;
	(pc) =	sbr.abs _section_cstart, $3  }
0xc2: {  	[dreg:$0x1] =	wrdreg $0xFFFFFFFF  }
0xc3: {  	_ =	task.clear_ibuf [dreg:s8], $0x2FFFF;
	_ =	strace $0x9FFFFFFF  }
0xc4: {  	(tm) =	ssettm $0x7FFFFFFF  }
0xc5: {  	_ =	shalt  }
tec
execute0_lowered:
.L_overlay_start_1:
0x0: {  	(tag) =	ssettag $0x1  }
0x1: {  	s0 =	rddreg [dreg:$0x0]  }
0x2: {  	s1 =	rddreg [dreg:$0x2];
	s2 =	simm.s32 $0x0  }
0x3: {  	s3 =	srdreg.scid;
	s9 =	stileid.u32;
	s14 =	simm.s32 $0x2  }
0x4: {  	s18 =	simm.s32 $0x3D20;
	s19 =	simm.s32 $0x32;
	s20 =	simm.s32 $0x1C0  }
0x5: {  	s22 =	simm.s32 $0x800;
	s23 =	simm.s32 $0x70;
	s24 =	simm.s32 $0xE40  }
0x6: {  	s25 =	simm.s32 $0xA8;
	s28 =	simm.s32 $0xE0;
	s29 =	simm.s32 $0x1AC0  }
0x7: {  	s30 =	simm.s32 $0x118;
	s31 =	simm.s32 $0x2100;
	[smem:$0x7FF] =	sst s2  }
0x8: {  	s16 =	simm.s32 $0x1;
	s4 =	sadd.s32 $0x1EAA00, s0;
	s5 =	sadd.s32 $0x1EA800, s0  }
0x9: {  	s3 =	sand.u32 $0x1, s3;
	s6 =	sadd.s32 $0x1EA600, s0;
	s7 =	sadd.s32 $0x1EAC00, s0  }
0xa: {  	_ =	strace $0x80000047;
	s8 =	sshll.u32 s3, $0x4;
	s3 =	ssub.s32 $0x2, s3  }
0xb: {  	s15 =	sor.u32 s9, s8;
	s8 =	sadd.s32 $0x188A00, s0;
	s10 =	sshrl.u32 s3, $0x1  }
.Ltmp0:
0xc: {  	s9 =	sadd.s32 $0x1EB400, s0;
	s0 =	simm.s32 $0x150;
	(pc) =	sbr.rel .LBB2_1-.Ltmp0, $4  }
0xd: {  	s12 =	smul.u32 $0x640, s15;
	s26 =	ssub.s32 s3, s10;
	s10 =	sshll.u32 s15, $0x4  }
0xe: {  	p0 =	sgt.u32 s15, $0x11;
	p1 =	sne.s32 s15, $0x0;
	s3 =	simm.s32 $0x2740  }
0xf: {  	s15 =	simm.s32 $0x2D80;
	s11 =	sor.u32 $0x200, s10;
	s13 =	smax.u32 s26, $0x1  }
0x10: {  	s26 =	simm.s32 $0x1480;
	s12 =	sadd.s32 s1, s12;
	s1 =	simm.s32 $0x188  }
.LBB2_3:
0x11: {  	[hbm4b:s12+s2] =	stream.linear.scatter [tilespmem:s18], [sflag:$0x2], $0x3200, $0x38;
	[tilespmem:$0x6F20] =	vst v63  }
0x12: {  	_ =	swait.ge [sflag:s14], $0x3200  }
0x13: {  	s17 =	simm.s32 @!p1 $0x0;
	s13 =	sadd.s32 $0xFFFFFFFF, s13;
	[sflag:s14] =	ssyncset.done $0x0  }
0x14: {  	s21 =	simm.s32 @!p1 $0x1C0;
	p2 =	sne.s32 s13, $0x0;
	[sflag:s14] =	ssyncadd.s32 $0xFFFFCE00  }
0x15: {  	[hbm4b:s9+s17] =	stream.linear.scatter @!p1 [tilespmem:s21], [sflag:$0x2], $0x3200, $0x38;
	[tilespmem:$0x6F20] =	vst v63  }
.Ltmp1:
0x16: {  	_ = 	snop;
	(pc) =	sbr.rel @!p2 .LBB2_4-.Ltmp1, $4  }
0x17: {  	s17 =	simm.s32 @!p1 $0x2  }
0x18: {  	_ =	swait.ge @!p1 [sflag:s17], $0x3200  }
0x19: {  	[sflag:s17] =	ssyncset.done @!p1 $0x0  }
0x1a: {  	[sflag:s17] =	ssyncadd.s32 @!p1 $0xFFFFCE00  }
.LBB2_1:
0x1b: {  	[tilespmem:s2], [sflag:$0x2] =	stream.linear.gather [hbm4b:s4+s2], $0x1C0, $0x38;
	[tilespmem:$0x6F20] =	vst v63  }
0x1c: {  	_ =	swait.ge [sflag:s14], $0x1C0  }
0x1d: {  	[sflag:s14] =	ssyncset.done $0x0  }
0x1e: {  	s17 =	simm.s32 $0x33C0;
	[sflag:s14] =	ssyncadd.s32 $0xFFFFFE40  }
0x1f: {  	[tilespmem:s17], [sflag:$0x2] =	stream.linear.gather [hbm4b:s5+s2], $0x320, $0x38;
	[tilespmem:$0x6F20] =	vst v63  }
0x20: {  	_ =	swait.ge [sflag:s14], $0x320  }
0x21: {  	[sflag:s14] =	ssyncset.done $0x0  }
0x22: {  	s21 =	simm.s32 $0x36E0;
	[sflag:s14] =	ssyncadd.s32 $0xFFFFFCE0  }
0x23: {  	[tilespmem:s21], [sflag:$0x2] =	stream.linear.gather [hbm4b:s6+s2], $0x320, $0x38;
	[tilespmem:$0x6F20] =	vst v63  }
0x24: {  	_ =	swait.ge [sflag:s14], $0x320  }
0x25: {  	[sflag:s14] =	ssyncset.done $0x0  }
0x26: {  	[sflag:s14] =	ssyncadd.s32 $0xFFFFFCE0  }
0x27: {  	s21 =	simm.s32 $0x3A00;
	s17 =	rddreg [dreg:$0x1]  }
0x28: {  	[tilespmem:s21], [sflag:$0x2] =	stream.linear.gather [hbm4b:s17+s2], $0x320, $0x38;
	[tilespmem:$0x6F20] =	vst v63  }
0x29: {  	_ =	swait.ge [sflag:s14], $0x320  }
0x2a: {  	[sflag:s14] =	ssyncset.done $0x0  }
0x2b: {  	[sflag:s14] =	ssyncadd.s32 $0xFFFFFCE0  }
0x2c: {  	[tilespmem:s18], [sflag:$0x2] =	stream.linear.gather [hbm4b:s7+s2], $0x3200, $0x38;
	[tilespmem:$0x6F20] =	vst v63  }
0x2d: {  	_ =	swait.ge [sflag:s14], $0x3200  }
0x2e: {  	[sflag:s14] =	ssyncset.done $0x0  }
0x2f: {  	[sflag:s14] =	ssyncadd.s32 $0xFFFFCE00  }
0x30: {  	[tilespmem:s20], [sflag:$0x1] =	stream.indirect.gather [hbm4b:s8+s19], $0x20, s2, s19, $0xb8;
	[tilespmem:$0x6F20] =	vst v63  }
0x31: {  	s21 =	simm.s32 $0x38  }
0x32: {  	[tilespmem:s22], [sflag:$0x1] =	stream.indirect.gather [hbm4b:s8+s19], $0x20, s21, s19, $0xb8;
	[tilespmem:$0x6F20] =	vst v63  }
0x33: {  	_ = 	snop  }
0x34: {  	[tilespmem:s24], [sflag:$0x1] =	stream.indirect.gather [hbm4b:s8+s19], $0x20, s23, s19, $0xb8;
	[tilespmem:$0x6F20] =	vst v63  }
0x35: {  	_ = 	snop  }
0x36: {  	[tilespmem:s26], [sflag:$0x1] =	stream.indirect.gather [hbm4b:s8+s19], $0x20, s25, s19, $0xb8;
	[tilespmem:$0x6F20] =	vst v63  }
0x37: {  	_ = 	snop  }
0x38: {  	[tilespmem:s29], [sflag:$0x1] =	stream.indirect.gather [hbm4b:s8+s19], $0x20, s28, s19, $0xb8;
	[tilespmem:$0x6F20] =	vst v63  }
0x39: {  	_ = 	snop  }
0x3a: {  	[tilespmem:s31], [sflag:$0x1] =	stream.indirect.gather [hbm4b:s8+s19], $0x20, s30, s19, $0xb8;
	[tilespmem:$0x6F20] =	vst v63  }
0x3b: {  	_ = 	snop  }
0x3c: {  	[tilespmem:s3], [sflag:$0x1] =	stream.indirect.gather [hbm4b:s8+s19], $0x20, s0, s19, $0xb8;
	[tilespmem:$0x6F20] =	vst v63  }
0x3d: {  	_ = 	snop  }
0x3e: {  	[tilespmem:s15], [sflag:$0x1] =	stream.indirect.gather [hbm4b:s8+s19], $0x20, s1, s19, $0xb8;
	[tilespmem:$0x6F20] =	vst v63  }
0x3f: {  	_ =	swait.ge [sflag:s16], $0x640  }
0x40: {  	[sflag:s16] =	ssyncset.done $0x0  }
0x41: {  	[sflag:s16] =	ssyncadd.s32 $0xFFFFF9C0  }
0x42: {  	_ =	swait.ge [sflag:s16], $0x640  }
0x43: {  	[sflag:s16] =	ssyncset.done $0x0  }
0x44: {  	[sflag:s16] =	ssyncadd.s32 $0xFFFFF9C0  }
0x45: {  	_ =	swait.ge [sflag:s16], $0x640  }
0x46: {  	[sflag:s16] =	ssyncset.done $0x0  }
0x47: {  	[sflag:s16] =	ssyncadd.s32 $0xFFFFF9C0  }
0x48: {  	_ =	swait.ge [sflag:s16], $0x640  }
0x49: {  	[sflag:s16] =	ssyncset.done $0x0  }
0x4a: {  	[sflag:s16] =	ssyncadd.s32 $0xFFFFF9C0  }
0x4b: {  	_ =	swait.ge [sflag:s16], $0x640  }
0x4c: {  	[sflag:s16] =	ssyncset.done $0x0  }
0x4d: {  	[sflag:s16] =	ssyncadd.s32 $0xFFFFF9C0  }
0x4e: {  	_ =	swait.ge [sflag:s16], $0x640  }
0x4f: {  	[sflag:s16] =	ssyncset.done $0x0  }
0x50: {  	[sflag:s16] =	ssyncadd.s32 $0xFFFFF9C0  }
0x51: {  	_ =	swait.ge [sflag:s16], $0x640  }
0x52: {  	[sflag:s16] =	ssyncset.done $0x0  }
0x53: {  	[sflag:s16] =	ssyncadd.s32 $0xFFFFF9C0  }
0x54: {  	_ =	swait.ge [sflag:s16], $0x640  }
0x55: {  	[sflag:s16] =	ssyncset.done $0x0  }
0x56: {  	[sflag:s16] =	ssyncadd.s32 $0xFFFFF9C0  }
0x57: {  	v0 =	vld [tilespmem:s10+$0x33C0];
	_ =	sdelay $0x4  }
0x58: {  	v1 =	vshll.u32 v0, $0x5;
	_ =	sdelay $0x1  }
0x59: {  	v2 =	vld [tilespmem:s10+$0x36E0];
	_ =	sdelay $0x1  }
0x5a: {  	v0 =	vld [tilespmem:s10+$0x3A00]  }
0x5b: {  	v3 =	vld.idx.msk [tilespmem:v1+s20+$0x0], $0xffff;
	_ =	sdelay $0x1  }
0x5c: {  	v2 =	vshll.u32 v2, $0x5  }
0x5d: {  	v4 =	vor.u32 $0x1, v1;
	_ =	sdelay $0x1  }
0x5e: {  	v3 =	vmul.f32 v3, v0;
	_ =	sdelay $0x1  }
0x5f: {  	[tilespmem:v2+s18+$0x0] =	vst.idx.add.f32.msk $0xffff, v3  }
0x60: {  	v3 =	vld.idx.msk [tilespmem:v4+s20+$0x0], $0xffff;
	_ =	sdelay $0x1  }
0x61: {  	v62 =	vor.u32 $0x1, v2  }
0x62: {  	v5 =	vor.u32 $0x2, v1;
	_ =	sdelay $0x1  }
0x63: {  	v3 =	vmul.f32 v3, v0;
	_ =	sdelay $0x1  }
0x64: {  	[tilespmem:v62+s18+$0x0] =	vst.idx.add.f32.msk $0xffff, v3  }
0x65: {  	v3 =	vld.idx.msk [tilespmem:v5+s20+$0x0], $0xffff;
	_ =	sdelay $0x1  }
0x66: {  	v63 =	vor.u32 $0x2, v2  }
0x67: {  	v8 =	vor.u32 $0x3, v1;
	_ =	sdelay $0x1  }
0x68: {  	v3 =	vmul.f32 v3, v0;
	_ =	sdelay $0x1  }
0x69: {  	[tilespmem:v63+s18+$0x0] =	vst.idx.add.f32.msk $0xffff, v3  }
0x6a: {  	v3 =	vld.idx.msk [tilespmem:v8+s20+$0x0], $0xffff;
	_ =	sdelay $0x1  }
0x6b: {  	v9 =	vor.u32 $0x3, v2  }
0x6c: {  	v10 =	vor.u32 $0x4, v1;
	_ =	sdelay $0x1  }
0x6d: {  	v3 =	vmul.f32 v3, v0;
	_ =	sdelay $0x1  }
0x6e: {  	[tilespmem:v9+s18+$0x0] =	vst.idx.add.f32.msk $0xffff, v3  }
0x6f: {  	v3 =	vld.idx.msk [tilespmem:v10+s20+$0x0], $0xffff;
	_ =	sdelay $0x1  }
0x70: {  	v11 =	vor.u32 $0x4, v2  }
0x71: {  	v12 =	vor.u32 $0x5, v1;
	_ =	sdelay $0x1  }
0x72: {  	v3 =	vmul.f32 v3, v0;
	_ =	sdelay $0x1  }
0x73: {  	[tilespmem:v11+s18+$0x0] =	vst.idx.add.f32.msk $0xffff, v3  }
0x74: {  	v3 =	vld.idx.msk [tilespmem:v12+s20+$0x0], $0xffff;
	_ =	sdelay $0x1  }
0x75: {  	v13 =	vor.u32 $0x5, v2  }
0x76: {  	v14 =	vor.u32 $0x6, v1;
	_ =	sdelay $0x1  }
0x77: {  	v3 =	vmul.f32 v3, v0;
	_ =	sdelay $0x1  }
0x78: {  	[tilespmem:v13+s18+$0x0] =	vst.idx.add.f32.msk $0xffff, v3  }
0x79: {  	v3 =	vld.idx.msk [tilespmem:v14+s20+$0x0], $0xffff;
	_ =	sdelay $0x1  }
0x7a: {  	v15 =	vor.u32 $0x6, v2  }
0x7b: {  	v16 =	vor.u32 $0x7, v1;
	_ =	sdelay $0x1  }
0x7c: {  	v3 =	vmul.f32 v3, v0;
	_ =	sdelay $0x1  }
0x7d: {  	[tilespmem:v15+s18+$0x0] =	vst.idx.add.f32.msk $0xffff, v3  }
0x7e: {  	v3 =	vld.idx.msk [tilespmem:v16+s20+$0x0], $0xffff;
	_ =	sdelay $0x1  }
0x7f: {  	v17 =	vor.u32 $0x7, v2  }
0x80: {  	v18 =	vor.u32 $0x8, v1;
	_ =	sdelay $0x1  }
0x81: {  	v3 =	vmul.f32 v3, v0;
	_ =	sdelay $0x1  }
0x82: {  	[tilespmem:v17+s18+$0x0] =	vst.idx.add.f32.msk $0xffff, v3  }
0x83: {  	v3 =	vld.idx.msk [tilespmem:v18+s20+$0x0], $0xffff;
	_ =	sdelay $0x1  }
0x84: {  	v19 =	vor.u32 $0x8, v2  }
0x85: {  	v20 =	vor.u32 $0x9, v1;
	_ =	sdelay $0x1  }
0x86: {  	v3 =	vmul.f32 v3, v0;
	_ =	sdelay $0x1  }
0x87: {  	[tilespmem:v19+s18+$0x0] =	vst.idx.add.f32.msk $0xffff, v3  }
0x88: {  	v3 =	vld.idx.msk [tilespmem:v20+s20+$0x0], $0xffff;
	_ =	sdelay $0x1  }
0x89: {  	v21 =	vor.u32 $0x9, v2  }
0x8a: {  	v22 =	vor.u32 $0xA, v1;
	_ =	sdelay $0x1  }
0x8b: {  	v3 =	vmul.f32 v3, v0;
	_ =	sdelay $0x1  }
0x8c: {  	[tilespmem:v21+s18+$0x0] =	vst.idx.add.f32.msk $0xffff, v3  }
0x8d: {  	v3 =	vld.idx.msk [tilespmem:v22+s20+$0x0], $0xffff;
	_ =	sdelay $0x1  }
0x8e: {  	v23 =	vor.u32 $0xA, v2  }
0x8f: {  	v24 =	vor.u32 $0xB, v1;
	_ =	sdelay $0x1  }
0x90: {  	v3 =	vmul.f32 v3, v0;
	_ =	sdelay $0x1  }
0x91: {  	[tilespmem:v23+s18+$0x0] =	vst.idx.add.f32.msk $0xffff, v3  }
0x92: {  	v3 =	vld.idx.msk [tilespmem:v24+s20+$0x0], $0xffff;
	_ =	sdelay $0x1  }
0x93: {  	v25 =	vor.u32 $0xB, v2  }
0x94: {  	v26 =	vor.u32 $0xC, v1;
	_ =	sdelay $0x1  }
0x95: {  	v3 =	vmul.f32 v3, v0;
	_ =	sdelay $0x1  }
0x96: {  	[tilespmem:v25+s18+$0x0] =	vst.idx.add.f32.msk $0xffff, v3  }
0x97: {  	v3 =	vld.idx.msk [tilespmem:v26+s20+$0x0], $0xffff;
	_ =	sdelay $0x1  }
0x98: {  	v27 =	vor.u32 $0xC, v2  }
0x99: {  	v28 =	vor.u32 $0xD, v1;
	_ =	sdelay $0x1  }
0x9a: {  	v3 =	vmul.f32 v3, v0;
	_ =	sdelay $0x1  }
0x9b: {  	[tilespmem:v27+s18+$0x0] =	vst.idx.add.f32.msk $0xffff, v3  }
0x9c: {  	v3 =	vld.idx.msk [tilespmem:v28+s20+$0x0], $0xffff;
	_ =	sdelay $0x1  }
0x9d: {  	v29 =	vor.u32 $0xD, v2  }
0x9e: {  	v30 =	vor.u32 $0xE, v1;
	_ =	sdelay $0x1  }
0x9f: {  	v3 =	vmul.f32 v3, v0;
	_ =	sdelay $0x1  }
0xa0: {  	[tilespmem:v29+s18+$0x0] =	vst.idx.add.f32.msk $0xffff, v3  }
0xa1: {  	v3 =	vld.idx.msk [tilespmem:v30+s20+$0x0], $0xffff;
	_ =	sdelay $0x1  }
0xa2: {  	v31 =	vor.u32 $0xE, v2  }
0xa3: {  	v32 =	vor.u32 $0xF, v1;
	_ =	sdelay $0x1  }
0xa4: {  	v3 =	vmul.f32 v3, v0;
	_ =	sdelay $0x1  }
0xa5: {  	[tilespmem:v31+s18+$0x0] =	vst.idx.add.f32.msk $0xffff, v3  }
0xa6: {  	v3 =	vld.idx.msk [tilespmem:v32+s20+$0x0], $0xffff;
	_ =	sdelay $0x1  }
0xa7: {  	v33 =	vor.u32 $0xF, v2  }
0xa8: {  	v34 =	vor.u32 $0x10, v1;
	_ =	sdelay $0x1  }
0xa9: {  	v3 =	vmul.f32 v3, v0;
	_ =	sdelay $0x1  }
0xaa: {  	[tilespmem:v33+s18+$0x0] =	vst.idx.add.f32.msk $0xffff, v3  }
0xab: {  	v3 =	vld.idx.msk [tilespmem:v34+s20+$0x0], $0xffff;
	_ =	sdelay $0x1  }
0xac: {  	v35 =	vor.u32 $0x10, v2  }
0xad: {  	v36 =	vor.u32 $0x11, v1;
	_ =	sdelay $0x1  }
0xae: {  	v3 =	vmul.f32 v3, v0;
	_ =	sdelay $0x1  }
0xaf: {  	[tilespmem:v35+s18+$0x0] =	vst.idx.add.f32.msk $0xffff, v3  }
0xb0: {  	v3 =	vld.idx.msk [tilespmem:v36+s20+$0x0], $0xffff;
	_ =	sdelay $0x1  }
0xb1: {  	v37 =	vor.u32 $0x11, v2  }
0xb2: {  	v38 =	vor.u32 $0x12, v1;
	_ =	sdelay $0x1  }
0xb3: {  	v3 =	vmul.f32 v3, v0;
	_ =	sdelay $0x1  }
0xb4: {  	[tilespmem:v37+s18+$0x0] =	vst.idx.add.f32.msk $0xffff, v3  }
0xb5: {  	v3 =	vld.idx.msk [tilespmem:v38+s20+$0x0], $0xffff;
	_ =	sdelay $0x1  }
0xb6: {  	v39 =	vor.u32 $0x12, v2  }
0xb7: {  	v40 =	vor.u32 $0x13, v1;
	_ =	sdelay $0x1  }
0xb8: {  	v3 =	vmul.f32 v3, v0;
	_ =	sdelay $0x1  }
0xb9: {  	[tilespmem:v39+s18+$0x0] =	vst.idx.add.f32.msk $0xffff, v3  }
0xba: {  	v3 =	vld.idx.msk [tilespmem:v40+s20+$0x0], $0xffff;
	_ =	sdelay $0x1  }
0xbb: {  	v41 =	vor.u32 $0x13, v2  }
0xbc: {  	v42 =	vor.u32 $0x14, v1;
	_ =	sdelay $0x1  }
0xbd: {  	v3 =	vmul.f32 v3, v0;
	_ =	sdelay $0x1  }
0xbe: {  	[tilespmem:v41+s18+$0x0] =	vst.idx.add.f32.msk $0xffff, v3  }
0xbf: {  	v3 =	vld.idx.msk [tilespmem:v42+s20+$0x0], $0xffff;
	_ =	sdelay $0x1  }
0xc0: {  	v43 =	vor.u32 $0x14, v2  }
0xc1: {  	v44 =	vor.u32 $0x15, v1;
	_ =	sdelay $0x1  }
0xc2: {  	v3 =	vmul.f32 v3, v0;
	_ =	sdelay $0x1  }
0xc3: {  	[tilespmem:v43+s18+$0x0] =	vst.idx.add.f32.msk $0xffff, v3  }
0xc4: {  	v3 =	vld.idx.msk [tilespmem:v44+s20+$0x0], $0xffff;
	_ =	sdelay $0x1  }
0xc5: {  	v45 =	vor.u32 $0x15, v2  }
0xc6: {  	v46 =	vor.u32 $0x16, v1;
	_ =	sdelay $0x1  }
0xc7: {  	v3 =	vmul.f32 v3, v0;
	_ =	sdelay $0x1  }
0xc8: {  	[tilespmem:v45+s18+$0x0] =	vst.idx.add.f32.msk $0xffff, v3  }
0xc9: {  	v3 =	vld.idx.msk [tilespmem:v46+s20+$0x0], $0xffff;
	_ =	sdelay $0x1  }
0xca: {  	v47 =	vor.u32 $0x16, v2  }
0xcb: {  	v48 =	vor.u32 $0x17, v1;
	_ =	sdelay $0x1  }
0xcc: {  	v3 =	vmul.f32 v3, v0;
	_ =	sdelay $0x1  }
0xcd: {  	[tilespmem:v47+s18+$0x0] =	vst.idx.add.f32.msk $0xffff, v3  }
0xce: {  	v3 =	vld.idx.msk [tilespmem:v48+s20+$0x0], $0xffff;
	_ =	sdelay $0x1  }
0xcf: {  	v49 =	vor.u32 $0x17, v2  }
0xd0: {  	v50 =	vor.u32 $0x18, v1;
	_ =	sdelay $0x1  }
0xd1: {  	v3 =	vmul.f32 v3, v0;
	_ =	sdelay $0x1  }
0xd2: {  	[tilespmem:v49+s18+$0x0] =	vst.idx.add.f32.msk $0xffff, v3  }
0xd3: {  	v3 =	vld.idx.msk [tilespmem:v50+s20+$0x0], $0xffff;
	_ =	sdelay $0x1  }
0xd4: {  	v51 =	vor.u32 $0x18, v2  }
0xd5: {  	v52 =	vor.u32 $0x19, v1;
	_ =	sdelay $0x1  }
0xd6: {  	v3 =	vmul.f32 v3, v0;
	_ =	sdelay $0x1  }
0xd7: {  	[tilespmem:v51+s18+$0x0] =	vst.idx.add.f32.msk $0xffff, v3  }
0xd8: {  	v3 =	vld.idx.msk [tilespmem:v52+s20+$0x0], $0xffff;
	_ =	sdelay $0x1  }
0xd9: {  	v53 =	vor.u32 $0x19, v2  }
0xda: {  	v54 =	vor.u32 $0x1A, v1;
	_ =	sdelay $0x1  }
0xdb: {  	v3 =	vmul.f32 v3, v0;
	_ =	sdelay $0x1  }
0xdc: {  	[tilespmem:v53+s18+$0x0] =	vst.idx.add.f32.msk $0xffff, v3  }
0xdd: {  	v3 =	vld.idx.msk [tilespmem:v54+s20+$0x0], $0xffff;
	_ =	sdelay $0x1  }
0xde: {  	v55 =	vor.u32 $0x1A, v2  }
0xdf: {  	v56 =	vor.u32 $0x1B, v1;
	_ =	sdelay $0x1  }
0xe0: {  	v3 =	vmul.f32 v3, v0;
	_ =	sdelay $0x1  }
0xe1: {  	[tilespmem:v55+s18+$0x0] =	vst.idx.add.f32.msk $0xffff, v3  }
0xe2: {  	v3 =	vld.idx.msk [tilespmem:v56+s20+$0x0], $0xffff;
	_ =	sdelay $0x1  }
0xe3: {  	v57 =	vor.u32 $0x1B, v2  }
0xe4: {  	v58 =	vor.u32 $0x1C, v1;
	_ =	sdelay $0x1  }
0xe5: {  	v3 =	vmul.f32 v3, v0;
	_ =	sdelay $0x1  }
0xe6: {  	[tilespmem:v57+s18+$0x0] =	vst.idx.add.f32.msk $0xffff, v3  }
0xe7: {  	v3 =	vld.idx.msk [tilespmem:v58+s20+$0x0], $0xffff;
	_ =	sdelay $0x1  }
0xe8: {  	v59 =	vor.u32 $0x1C, v2  }
0xe9: {  	v60 =	vor.u32 $0x1D, v1;
	_ =	sdelay $0x1  }
0xea: {  	v3 =	vmul.f32 v3, v0;
	_ =	sdelay $0x1  }
0xeb: {  	[tilespmem:v59+s18+$0x0] =	vst.idx.add.f32.msk $0xffff, v3  }
0xec: {  	v3 =	vld.idx.msk [tilespmem:v60+s20+$0x0], $0xffff;
	_ =	sdelay $0x1  }
0xed: {  	v61 =	vor.u32 $0x1D, v2  }
0xee: {  	v62 =	vor.u32 $0x1E, v1;
	_ =	sdelay $0x1  }
0xef: {  	v3 =	vmul.f32 v3, v0;
	_ =	sdelay $0x1  }
0xf0: {  	[tilespmem:v61+s18+$0x0] =	vst.idx.add.f32.msk $0xffff, v3  }
0xf1: {  	v3 =	vld.idx.msk [tilespmem:v62+s20+$0x0], $0xffff;
	_ =	sdelay $0x1  }
0xf2: {  	v63 =	vor.u32 $0x1E, v2  }
0xf3: {  	v1 =	vor.u32 $0x1F, v1;
	_ =	sdelay $0x1  }
0xf4: {  	v3 =	vmul.f32 v3, v0;
	_ =	sdelay $0x1  }
0xf5: {  	[tilespmem:v63+s18+$0x0] =	vst.idx.add.f32.msk $0xffff, v3  }
0xf6: {  	v1 =	vld.idx.msk [tilespmem:v1+s20+$0x0], $0xffff;
	_ =	sdelay $0x1  }
0xf7: {  	v2 =	vor.u32 $0x1F, v2  }
.Ltmp2:
0xf8: {  	_ = 	snop;
	(pc) =	sbr.rel @p0 .LBB2_3-.Ltmp2, $3  }
0xf9: {  	_ = 	snop  }
0xfa: {  	v0 =	vmul.f32 v1, v0;
	_ =	sdelay $0x1  }
0xfb: {  	[tilespmem:v2+s18+$0x0] =	vst.idx.add.f32.msk $0xffff, v0  }
0xfc: {  	v0 =	vld [tilespmem:s11+$0x33C0];
	_ =	sdelay $0x4  }
0xfd: {  	v1 =	vshll.u32 v0, $0x5;
	_ =	sdelay $0x1  }
0xfe: {  	v2 =	vld [tilespmem:s11+$0x36E0];
	_ =	sdelay $0x1  }
0xff: {  	v0 =	vld [tilespmem:s11+$0x3A00]  }
0x100: {  	v3 =	vld.idx.msk [tilespmem:v1+s20+$0x0], $0xffff;
	_ =	sdelay $0x1  }
0x101: {  	v2 =	vshll.u32 v2, $0x5  }
0x102: {  	v4 =	vor.u32 $0x1, v1;
	_ =	sdelay $0x1  }
0x103: {  	v3 =	vmul.f32 v3, v0;
	_ =	sdelay $0x1  }
0x104: {  	[tilespmem:v2+s18+$0x0] =	vst.idx.add.f32.msk $0xffff, v3  }
0x105: {  	v3 =	vld.idx.msk [tilespmem:v4+s20+$0x0], $0xffff;
	_ =	sdelay $0x1  }
0x106: {  	v62 =	vor.u32 $0x1, v2  }
0x107: {  	v5 =	vor.u32 $0x2, v1;
	_ =	sdelay $0x1  }
0x108: {  	v3 =	vmul.f32 v3, v0;
	_ =	sdelay $0x1  }
0x109: {  	[tilespmem:v62+s18+$0x0] =	vst.idx.add.f32.msk $0xffff, v3  }
0x10a: {  	v3 =	vld.idx.msk [tilespmem:v5+s20+$0x0], $0xffff;
	_ =	sdelay $0x1  }
0x10b: {  	v63 =	vor.u32 $0x2, v2  }
0x10c: {  	v8 =	vor.u32 $0x3, v1;
	_ =	sdelay $0x1  }
0x10d: {  	v3 =	vmul.f32 v3, v0;
	_ =	sdelay $0x1  }
0x10e: {  	[tilespmem:v63+s18+$0x0] =	vst.idx.add.f32.msk $0xffff, v3  }
0x10f: {  	v3 =	vld.idx.msk [tilespmem:v8+s20+$0x0], $0xffff;
	_ =	sdelay $0x1  }
0x110: {  	v9 =	vor.u32 $0x3, v2  }
0x111: {  	v10 =	vor.u32 $0x4, v1;
	_ =	sdelay $0x1  }
0x112: {  	v3 =	vmul.f32 v3, v0;
	_ =	sdelay $0x1  }
0x113: {  	[tilespmem:v9+s18+$0x0] =	vst.idx.add.f32.msk $0xffff, v3  }
0x114: {  	v3 =	vld.idx.msk [tilespmem:v10+s20+$0x0], $0xffff;
	_ =	sdelay $0x1  }
0x115: {  	v11 =	vor.u32 $0x4, v2  }
0x116: {  	v12 =	vor.u32 $0x5, v1;
	_ =	sdelay $0x1  }
0x117: {  	v3 =	vmul.f32 v3, v0;
	_ =	sdelay $0x1  }
0x118: {  	[tilespmem:v11+s18+$0x0] =	vst.idx.add.f32.msk $0xffff, v3  }
0x119: {  	v3 =	vld.idx.msk [tilespmem:v12+s20+$0x0], $0xffff;
	_ =	sdelay $0x1  }
0x11a: {  	v13 =	vor.u32 $0x5, v2  }
0x11b: {  	v14 =	vor.u32 $0x6, v1;
	_ =	sdelay $0x1  }
0x11c: {  	v3 =	vmul.f32 v3, v0;
	_ =	sdelay $0x1  }
0x11d: {  	[tilespmem:v13+s18+$0x0] =	vst.idx.add.f32.msk $0xffff, v3  }
0x11e: {  	v3 =	vld.idx.msk [tilespmem:v14+s20+$0x0], $0xffff;
	_ =	sdelay $0x1  }
0x11f: {  	v15 =	vor.u32 $0x6, v2  }
0x120: {  	v16 =	vor.u32 $0x7, v1;
	_ =	sdelay $0x1  }
0x121: {  	v3 =	vmul.f32 v3, v0;
	_ =	sdelay $0x1  }
0x122: {  	[tilespmem:v15+s18+$0x0] =	vst.idx.add.f32.msk $0xffff, v3  }
0x123: {  	v3 =	vld.idx.msk [tilespmem:v16+s20+$0x0], $0xffff;
	_ =	sdelay $0x1  }
0x124: {  	v17 =	vor.u32 $0x7, v2  }
0x125: {  	v18 =	vor.u32 $0x8, v1;
	_ =	sdelay $0x1  }
0x126: {  	v3 =	vmul.f32 v3, v0;
	_ =	sdelay $0x1  }
0x127: {  	[tilespmem:v17+s18+$0x0] =	vst.idx.add.f32.msk $0xffff, v3  }
0x128: {  	v3 =	vld.idx.msk [tilespmem:v18+s20+$0x0], $0xffff;
	_ =	sdelay $0x1  }
0x129: {  	v19 =	vor.u32 $0x8, v2  }
0x12a: {  	v20 =	vor.u32 $0x9, v1;
	_ =	sdelay $0x1  }
0x12b: {  	v3 =	vmul.f32 v3, v0;
	_ =	sdelay $0x1  }
0x12c: {  	[tilespmem:v19+s18+$0x0] =	vst.idx.add.f32.msk $0xffff, v3  }
0x12d: {  	v3 =	vld.idx.msk [tilespmem:v20+s20+$0x0], $0xffff;
	_ =	sdelay $0x1  }
0x12e: {  	v21 =	vor.u32 $0x9, v2  }
0x12f: {  	v22 =	vor.u32 $0xA, v1;
	_ =	sdelay $0x1  }
0x130: {  	v3 =	vmul.f32 v3, v0;
	_ =	sdelay $0x1  }
0x131: {  	[tilespmem:v21+s18+$0x0] =	vst.idx.add.f32.msk $0xffff, v3  }
0x132: {  	v3 =	vld.idx.msk [tilespmem:v22+s20+$0x0], $0xffff;
	_ =	sdelay $0x1  }
0x133: {  	v23 =	vor.u32 $0xA, v2  }
0x134: {  	v24 =	vor.u32 $0xB, v1;
	_ =	sdelay $0x1  }
0x135: {  	v3 =	vmul.f32 v3, v0;
	_ =	sdelay $0x1  }
0x136: {  	[tilespmem:v23+s18+$0x0] =	vst.idx.add.f32.msk $0xffff, v3  }
0x137: {  	v3 =	vld.idx.msk [tilespmem:v24+s20+$0x0], $0xffff;
	_ =	sdelay $0x1  }
0x138: {  	v25 =	vor.u32 $0xB, v2  }
0x139: {  	v26 =	vor.u32 $0xC, v1;
	_ =	sdelay $0x1  }
0x13a: {  	v3 =	vmul.f32 v3, v0;
	_ =	sdelay $0x1  }
0x13b: {  	[tilespmem:v25+s18+$0x0] =	vst.idx.add.f32.msk $0xffff, v3  }
0x13c: {  	v3 =	vld.idx.msk [tilespmem:v26+s20+$0x0], $0xffff;
	_ =	sdelay $0x1  }
0x13d: {  	v27 =	vor.u32 $0xC, v2  }
0x13e: {  	v28 =	vor.u32 $0xD, v1;
	_ =	sdelay $0x1  }
0x13f: {  	v3 =	vmul.f32 v3, v0;
	_ =	sdelay $0x1  }
0x140: {  	[tilespmem:v27+s18+$0x0] =	vst.idx.add.f32.msk $0xffff, v3  }
0x141: {  	v3 =	vld.idx.msk [tilespmem:v28+s20+$0x0], $0xffff;
	_ =	sdelay $0x1  }
0x142: {  	v29 =	vor.u32 $0xD, v2  }
0x143: {  	v30 =	vor.u32 $0xE, v1;
	_ =	sdelay $0x1  }
0x144: {  	v3 =	vmul.f32 v3, v0;
	_ =	sdelay $0x1  }
0x145: {  	[tilespmem:v29+s18+$0x0] =	vst.idx.add.f32.msk $0xffff, v3  }
0x146: {  	v3 =	vld.idx.msk [tilespmem:v30+s20+$0x0], $0xffff;
	_ =	sdelay $0x1  }
0x147: {  	v31 =	vor.u32 $0xE, v2  }
0x148: {  	v32 =	vor.u32 $0xF, v1;
	_ =	sdelay $0x1  }
0x149: {  	v3 =	vmul.f32 v3, v0;
	_ =	sdelay $0x1  }
0x14a: {  	[tilespmem:v31+s18+$0x0] =	vst.idx.add.f32.msk $0xffff, v3  }
0x14b: {  	v3 =	vld.idx.msk [tilespmem:v32+s20+$0x0], $0xffff;
	_ =	sdelay $0x1  }
0x14c: {  	v33 =	vor.u32 $0xF, v2  }
0x14d: {  	v34 =	vor.u32 $0x10, v1;
	_ =	sdelay $0x1  }
0x14e: {  	v3 =	vmul.f32 v3, v0;
	_ =	sdelay $0x1  }
0x14f: {  	[tilespmem:v33+s18+$0x0] =	vst.idx.add.f32.msk $0xffff, v3  }
0x150: {  	v3 =	vld.idx.msk [tilespmem:v34+s20+$0x0], $0xffff;
	_ =	sdelay $0x1  }
0x151: {  	v35 =	vor.u32 $0x10, v2  }
0x152: {  	v36 =	vor.u32 $0x11, v1;
	_ =	sdelay $0x1  }
0x153: {  	v3 =	vmul.f32 v3, v0;
	_ =	sdelay $0x1  }
0x154: {  	[tilespmem:v35+s18+$0x0] =	vst.idx.add.f32.msk $0xffff, v3  }
0x155: {  	v3 =	vld.idx.msk [tilespmem:v36+s20+$0x0], $0xffff;
	_ =	sdelay $0x1  }
0x156: {  	v37 =	vor.u32 $0x11, v2  }
0x157: {  	v38 =	vor.u32 $0x12, v1;
	_ =	sdelay $0x1  }
0x158: {  	v3 =	vmul.f32 v3, v0;
	_ =	sdelay $0x1  }
0x159: {  	[tilespmem:v37+s18+$0x0] =	vst.idx.add.f32.msk $0xffff, v3  }
0x15a: {  	v3 =	vld.idx.msk [tilespmem:v38+s20+$0x0], $0xffff;
	_ =	sdelay $0x1  }
0x15b: {  	v39 =	vor.u32 $0x12, v2  }
0x15c: {  	v40 =	vor.u32 $0x13, v1;
	_ =	sdelay $0x1  }
0x15d: {  	v3 =	vmul.f32 v3, v0;
	_ =	sdelay $0x1  }
0x15e: {  	[tilespmem:v39+s18+$0x0] =	vst.idx.add.f32.msk $0xffff, v3  }
0x15f: {  	v3 =	vld.idx.msk [tilespmem:v40+s20+$0x0], $0xffff;
	_ =	sdelay $0x1  }
0x160: {  	v41 =	vor.u32 $0x13, v2  }
0x161: {  	v42 =	vor.u32 $0x14, v1;
	_ =	sdelay $0x1  }
0x162: {  	v3 =	vmul.f32 v3, v0;
	_ =	sdelay $0x1  }
0x163: {  	[tilespmem:v41+s18+$0x0] =	vst.idx.add.f32.msk $0xffff, v3  }
0x164: {  	v3 =	vld.idx.msk [tilespmem:v42+s20+$0x0], $0xffff;
	_ =	sdelay $0x1  }
0x165: {  	v43 =	vor.u32 $0x14, v2  }
0x166: {  	v44 =	vor.u32 $0x15, v1;
	_ =	sdelay $0x1  }
0x167: {  	v3 =	vmul.f32 v3, v0;
	_ =	sdelay $0x1  }
0x168: {  	[tilespmem:v43+s18+$0x0] =	vst.idx.add.f32.msk $0xffff, v3  }
0x169: {  	v3 =	vld.idx.msk [tilespmem:v44+s20+$0x0], $0xffff;
	_ =	sdelay $0x1  }
0x16a: {  	v45 =	vor.u32 $0x15, v2  }
0x16b: {  	v46 =	vor.u32 $0x16, v1;
	_ =	sdelay $0x1  }
0x16c: {  	v3 =	vmul.f32 v3, v0;
	_ =	sdelay $0x1  }
0x16d: {  	[tilespmem:v45+s18+$0x0] =	vst.idx.add.f32.msk $0xffff, v3  }
0x16e: {  	v3 =	vld.idx.msk [tilespmem:v46+s20+$0x0], $0xffff;
	_ =	sdelay $0x1  }
0x16f: {  	v47 =	vor.u32 $0x16, v2  }
0x170: {  	v48 =	vor.u32 $0x17, v1;
	_ =	sdelay $0x1  }
0x171: {  	v3 =	vmul.f32 v3, v0;
	_ =	sdelay $0x1  }
0x172: {  	[tilespmem:v47+s18+$0x0] =	vst.idx.add.f32.msk $0xffff, v3  }
0x173: {  	v3 =	vld.idx.msk [tilespmem:v48+s20+$0x0], $0xffff;
	_ =	sdelay $0x1  }
0x174: {  	v49 =	vor.u32 $0x17, v2  }
0x175: {  	v50 =	vor.u32 $0x18, v1;
	_ =	sdelay $0x1  }
0x176: {  	v3 =	vmul.f32 v3, v0;
	_ =	sdelay $0x1  }
0x177: {  	[tilespmem:v49+s18+$0x0] =	vst.idx.add.f32.msk $0xffff, v3  }
0x178: {  	v3 =	vld.idx.msk [tilespmem:v50+s20+$0x0], $0xffff;
	_ =	sdelay $0x1  }
0x179: {  	v51 =	vor.u32 $0x18, v2  }
0x17a: {  	v52 =	vor.u32 $0x19, v1;
	_ =	sdelay $0x1  }
0x17b: {  	v3 =	vmul.f32 v3, v0;
	_ =	sdelay $0x1  }
0x17c: {  	[tilespmem:v51+s18+$0x0] =	vst.idx.add.f32.msk $0xffff, v3  }
0x17d: {  	v3 =	vld.idx.msk [tilespmem:v52+s20+$0x0], $0xffff;
	_ =	sdelay $0x1  }
0x17e: {  	v53 =	vor.u32 $0x19, v2  }
0x17f: {  	v54 =	vor.u32 $0x1A, v1;
	_ =	sdelay $0x1  }
0x180: {  	v3 =	vmul.f32 v3, v0;
	_ =	sdelay $0x1  }
0x181: {  	[tilespmem:v53+s18+$0x0] =	vst.idx.add.f32.msk $0xffff, v3  }
0x182: {  	v3 =	vld.idx.msk [tilespmem:v54+s20+$0x0], $0xffff;
	_ =	sdelay $0x1  }
0x183: {  	v55 =	vor.u32 $0x1A, v2  }
0x184: {  	v56 =	vor.u32 $0x1B, v1;
	_ =	sdelay $0x1  }
0x185: {  	v3 =	vmul.f32 v3, v0;
	_ =	sdelay $0x1  }
0x186: {  	[tilespmem:v55+s18+$0x0] =	vst.idx.add.f32.msk $0xffff, v3  }
0x187: {  	v3 =	vld.idx.msk [tilespmem:v56+s20+$0x0], $0xffff;
	_ =	sdelay $0x1  }
0x188: {  	v57 =	vor.u32 $0x1B, v2  }
0x189: {  	v58 =	vor.u32 $0x1C, v1;
	_ =	sdelay $0x1  }
0x18a: {  	v3 =	vmul.f32 v3, v0;
	_ =	sdelay $0x1  }
0x18b: {  	[tilespmem:v57+s18+$0x0] =	vst.idx.add.f32.msk $0xffff, v3  }
0x18c: {  	v3 =	vld.idx.msk [tilespmem:v58+s20+$0x0], $0xffff;
	_ =	sdelay $0x1  }
0x18d: {  	v59 =	vor.u32 $0x1C, v2  }
0x18e: {  	v60 =	vor.u32 $0x1D, v1;
	_ =	sdelay $0x1  }
0x18f: {  	v3 =	vmul.f32 v3, v0;
	_ =	sdelay $0x1  }
0x190: {  	[tilespmem:v59+s18+$0x0] =	vst.idx.add.f32.msk $0xffff, v3  }
0x191: {  	v3 =	vld.idx.msk [tilespmem:v60+s20+$0x0], $0xffff;
	_ =	sdelay $0x1  }
0x192: {  	v61 =	vor.u32 $0x1D, v2  }
0x193: {  	v62 =	vor.u32 $0x1E, v1;
	_ =	sdelay $0x1  }
0x194: {  	v3 =	vmul.f32 v3, v0;
	_ =	sdelay $0x1  }
0x195: {  	[tilespmem:v61+s18+$0x0] =	vst.idx.add.f32.msk $0xffff, v3  }
0x196: {  	v3 =	vld.idx.msk [tilespmem:v62+s20+$0x0], $0xffff;
	_ =	sdelay $0x1  }
0x197: {  	v63 =	vor.u32 $0x1E, v2  }
0x198: {  	v1 =	vor.u32 $0x1F, v1;
	_ =	sdelay $0x1  }
0x199: {  	v3 =	vmul.f32 v3, v0;
	_ =	sdelay $0x1  }
0x19a: {  	[tilespmem:v63+s18+$0x0] =	vst.idx.add.f32.msk $0xffff, v3  }
0x19b: {  	v1 =	vld.idx.msk [tilespmem:v1+s20+$0x0], $0xffff;
	_ =	sdelay $0x1  }
0x19c: {  	v2 =	vor.u32 $0x1F, v2  }
.Ltmp3:
0x19d: {  	_ = 	snop;
	(pc) =	sbr.rel .LBB2_3-.Ltmp3, $3  }
0x19e: {  	_ = 	snop  }
0x19f: {  	v0 =	vmul.f32 v1, v0;
	_ =	sdelay $0x1  }
0x1a0: {  	[tilespmem:v2+s18+$0x0] =	vst.idx.add.f32.msk $0xffff, v0  }
.LBB2_4:
0x1a1: {  	_ =	sfence.sel $0x180000  }
0x1a2: {  	[bflag:$0x0] =	sbarrier.arrive $0xFFFF  }
0x1a3: {  	_ =	strace $0x90000047  }
0x1a4: {  	s0 =	stileid.u32;
	[bflag:$0x2] =	sbarrier.arrive $0xFFFF  }
0x1a5: {  	p0 =	sne.s32 s0, $0x0;
	s0 =	rddreg [dreg:$0x3]  }
0x1a6: {  	s0 =	sadd.s32 @!p0 $0x100000, s0  }
0x1a7: {  	[sflag:s0] =	ssyncadd.tile.s32 @!p0 $0x1;
	_ =	shalt  }
.Lfunc_end2:
_tile_overlayer_lowered:
.L_overlay_start_2:
0x1a8: {  	(tag) =	ssettag $0x2  }
0x1a9: {  	s0 =	rddreg [dreg:$0x0];
	s2 =	stileid.u32  }
0x1aa: {  	s1 =	rddreg [dreg:$0x1];
	p0 =	sne.s32 s2, $0x0  }
0x1ab: {  	s3 =	rddreg [dreg:$0x2];
	[bflag:$0x3] =	sbarrier.arrive $0xFFFF;
	s2 =	simm.s32 @!p0 $0x1C02  }
0x1ac: {  	[timem:s3], [sflag:s2] =	dma.local @!p0 [hbm:s0], s1  }
0x1ad: {  	s0 =	simm.s32 @!p0 $0x2  }
0x1ae: {  	_ =	swait.ge @!p0 [sflag:s0], s1  }
0x1af: {  	s1 =	ssub.s32 @!p0 $0x0, s1;
	[sflag:s0] =	ssyncset.done @!p0 $0x0  }
0x1b0: {  	[sflag:s0] =	ssyncadd.s32 @!p0 s1  }
0x1b1: {  	[bflag:$0x3] =	sbarrier.arrive $0xFFFF  }
0x1b2: {  	_ =	shalt  }

</sc_bundles>
